<compile_context>
chip_gen: v7x
topology: tpu7x:2x2x1
jax: 0.10.2.dev20260603
libtpu: 0.0.44.dev20260713+nightly
codegen_flags: <defaults>
</compile_context>

<pallas_src>
import functools

import jax
import jax.numpy as jnp
from jax import lax
from jax.experimental import pallas as pl
from jax.experimental.pallas import tpu as pltpu
from jax.experimental.pallas import tpu_sc as plsc

B, S, D = 4, 4096, 4096
H1, H2 = D // 2, D // 4
BM = 1024
BK = 256


def _chunked_dot(a, w):
    s = None
    for i in range(a.shape[1] // BK):
        p = jnp.dot(a[:, i * BK:(i + 1) * BK], w[i * BK:(i + 1) * BK],
                    preferred_element_type=jnp.float32)
        s = p if s is None else s + p
    return s


def _score_body(x_ref, w1_ref, b1_ref, w2_ref, b2_ref, w3_ref, b3_ref,
                out_ref, h1_acc):
    k = pl.program_id(1)
    nk = pl.num_programs(1)

    @pl.when(k == 0)
    def _():
        h1_acc[...] = jnp.zeros_like(h1_acc)

    h1_acc[...] += jnp.dot(x_ref[...], w1_ref[...],
                           preferred_element_type=jnp.float32)

    @pl.when(k == nk - 1)
    def _():
        h1 = jnp.maximum(h1_acc[...] + b1_ref[...], 0.0)
        h2 = jnp.maximum(_chunked_dot(h1, w2_ref[...]) + b2_ref[...], 0.0)
        h2b = h2.astype(jnp.bfloat16).astype(jnp.float32)
        s = _chunked_dot(h2b, w3_ref[...]) + b3_ref[...]
        out_ref[...] = jax.nn.sigmoid(s).reshape(out_ref.shape)


def _scores(flat, W1, b1, W2, b2, W3, b3):
    m_tiles = (B * S) // BM
    k_tiles = D // BK
    out = pl.pallas_call(
        _score_body,
        grid=(m_tiles, k_tiles),
        in_specs=[
            pl.BlockSpec((BM, BK), lambda m, k: (m, k)),
            pl.BlockSpec((BK, H1), lambda m, k: (k, 0)),
            pl.BlockSpec((1, H1), lambda m, k: (0, 0)),
            pl.BlockSpec((H1, H2), lambda m, k: (0, 0)),
            pl.BlockSpec((1, H2), lambda m, k: (0, 0)),
            pl.BlockSpec((H2, 1), lambda m, k: (0, 0)),
            pl.BlockSpec((1, 1), lambda m, k: (0, 0)),
        ],
        out_specs=pl.BlockSpec((1, 1, BM), lambda m, k: (m, 0, 0)),
        out_shape=jax.ShapeDtypeStruct((m_tiles, 1, BM), jnp.float32),
        scratch_shapes=[pltpu.VMEM((BM, H1), jnp.float32)],
    )(flat, W1, b1.reshape(1, H1), W2, b2.reshape(1, H2), W3,
      b3.reshape(1, 1))
    return out.reshape(B, S)


_RT = 512


def _rank_body(s_ref, rank_ref):
    b = pl.program_id(0)
    s_row = s_ref[0]
    jdx = lax.broadcasted_iota(jnp.int32, (_RT, S), 1)
    for t in range(S // _RT):
        si = s_ref[0, 0:1, t * _RT:(t + 1) * _RT].reshape(_RT, 1)
        idx_i = t * _RT + lax.broadcasted_iota(jnp.int32, (_RT, S), 0)
        gt = (s_row > si).astype(jnp.int32)
        eq_lt = ((s_row == si) & (jdx < idx_i)).astype(jnp.int32)
        rank_ref[0, 0, t * _RT:(t + 1) * _RT] = \
            jnp.sum(gt + eq_lt, axis=1) + b * S


def _ranks(final_scores):
    r3 = pl.pallas_call(
        _rank_body,
        grid=(B,),
        in_specs=[pl.BlockSpec((1, 1, S), lambda b: (b, 0, 0))],
        out_specs=pl.BlockSpec((1, 1, S), lambda b: (b, 0, 0)),
        out_shape=jax.ShapeDtypeStruct((B, 1, S), jnp.int32),
    )(final_scores.reshape(B, 1, S))
    return r3.reshape(B * S)


_NW = 32
_CHUNK = 8


_G = 128


def _scatter_sc(table, flat_rank, positions):
    total = B * S
    per_w = total // _NW
    mesh = plsc.VectorSubcoreMesh(core_axis_name="c", subcore_axis_name="s")

    nch = per_w // _CHUNK
    ng = per_w // _G

    @functools.partial(
        pl.kernel,
        mesh=mesh,
        out_type=[jax.ShapeDtypeStruct((total, D), jnp.float32),
                  jax.ShapeDtypeStruct((total,), jnp.int32)],
        scratch_types=[
            pltpu.VMEM((nch, _CHUNK), jnp.int32),
            pltpu.VMEM((ng, _G), jnp.int32),
            pltpu.VMEM((ng, _G), jnp.int32),
            pltpu.VMEM((_CHUNK, D), jnp.float32),
            pltpu.VMEM((_CHUNK, D), jnp.float32),
            pltpu.SemaphoreType.DMA,
            pltpu.SemaphoreType.DMA,
            pltpu.SemaphoreType.DMA,
            pltpu.SemaphoreType.DMA,
            pltpu.SemaphoreType.DMA,
        ],
    )
    def k(table_hbm, rank8_hbm, rank128_hbm, pos128_hbm, out_hbm, tidx_hbm,
          rk8, rk128, ps128, rows0, rows1, sr0, sr1, sw0, sw1, st):
        wid = lax.axis_index("s") * 2 + lax.axis_index("c")
        base = wid * per_w
        bufs = ((rows0, sr0, sw0), (rows1, sr1, sw1))

        pltpu.sync_copy(rank8_hbm.at[pl.ds(wid * nch, nch), :], rk8)
        pltpu.sync_copy(rank128_hbm.at[pl.ds(wid * ng, ng), :], rk128)
        pltpu.sync_copy(pos128_hbm.at[pl.ds(wid * ng, ng), :], ps128)
        for g in range(ng):
            pltpu.async_copy(ps128.at[g], tidx_hbm.at[rk128.at[g]], st)

        def start(c, b):
            rows_v, sr, sw = bufs[b]

            @pl.when(c >= 2)
            def _():
                pltpu.make_async_copy(rows_v, out_hbm.at[rk8.at[0]],
                                      sw).wait()

            pltpu.async_copy(table_hbm.at[pl.ds(base + c * _CHUNK, _CHUNK)],
                             rows_v, sr)

        def finish(c, b):
            rows_v, sr, sw = bufs[b]
            pltpu.make_async_copy(
                table_hbm.at[pl.ds(base + c * _CHUNK, _CHUNK)],
                rows_v, sr).wait()
            pltpu.async_copy(rows_v, out_hbm.at[rk8.at[c]], sw)

        start(0, 0)

        def body(i, carry):
            c0 = i * 2
            start(c0 + 1, 1)
            finish(c0, 0)

            @pl.when(c0 + 2 < nch)
            def _():
                start(c0 + 2, 0)

            finish(c0 + 1, 1)
            return carry

        lax.fori_loop(0, nch // 2, body, 0)

        for b in range(2):
            rows_v, sr, sw = bufs[b]
            pltpu.make_async_copy(rows_v, out_hbm.at[rk8.at[0]], sw).wait()
        for g in range(ng):
            pltpu.make_async_copy(ps128.at[g], tidx_hbm.at[rk128.at[g]],
                                  st).wait()

    return k(table, flat_rank.reshape(total // _CHUNK, _CHUNK),
             flat_rank.reshape(total // _G, _G),
             positions.reshape(total // _G, _G))


def kernel(embeddings, W1, b1, W2, b2, W3, b3, sparsity_ratio):
    flat = embeddings.reshape(B * S, D)
    learned = _scores(flat, W1, b1, W2, b2, W3, b3)
    final_scores = learned * jnp.asarray(sparsity_ratio, jnp.float32)
    flat_rank = _ranks(final_scores)
    positions = jnp.tile(jnp.arange(S, dtype=jnp.int32), B)
    selected, tidx = _scatter_sc(flat, flat_rank, positions)
    return selected.reshape(B, S, D), tidx.reshape(B, S), final_scores

# --- scband reference (transcript-rebuilt; emitter-appended) ---
"""Pipeline reference for scband-improved-position-selector-72791105732695 (READ-ONLY COPY).

The authoritative reference and input builder live on the scoring server;
editing this copy changes nothing except your own understanding.
"""

import jax, jax.numpy as jnp
import numpy as np

B, S, D = 4, 4096, 4096

def setup_inputs(seed: int = 0) -> dict:
    key = jax.random.key(seed)
    ks = jax.random.split(key, 4)
    embeddings = jax.random.normal(ks[0], (B, S, D), dtype=jnp.float32)
    W1 = jax.random.normal(ks[1], (D, D // 2), dtype=jnp.float32) * (1.0 / np.sqrt(D))
    b1 = jnp.zeros((D // 2,), dtype=jnp.float32)
    W2 = jax.random.normal(ks[2], (D // 2, D // 4), dtype=jnp.float32) * (1.0 / np.sqrt(D // 2))
    b2 = jnp.zeros((D // 4,), dtype=jnp.float32)
    W3 = jax.random.normal(ks[3], (D // 4, 1), dtype=jnp.float32) * (1.0 / np.sqrt(D // 4))
    b3 = jnp.zeros((1,), dtype=jnp.float32)
    return {"embeddings": embeddings, "W1": W1, "b1": b1, "W2": W2, "b2": b2, "W3": W3, "b3": b3, "sparsity_ratio": 1}

def reference(embeddings, W1, b1, W2, b2, W3, b3, sparsity_ratio):
    batch_size, seq_length, embed_dim = embeddings.shape
    k = max(1, seq_length)
    # importance_network: Linear(D, D//2) -> ReLU -> Linear(D//2, D//4) -> ReLU -> Linear(D//4, 1)
    flat = embeddings.reshape(-1, embed_dim)
    h = jax.nn.relu(flat @ W1 + b1)
    h = jax.nn.relu(h @ W2 + b2)
    s = h @ W3 + b3
    learned_scores = jax.nn.sigmoid(s.reshape(batch_size, seq_length))
    final_scores = learned_scores * sparsity_ratio  # teacher_knowledge is None
    top_values, top_indices = jax.lax.top_k(final_scores, k)
    selected_embeddings = jnp.take_along_axis(embeddings, top_indices[:, :, None], axis=1)
    return selected_embeddings, top_indices, final_scores

if __name__ == "__main__":
    import jax
    _d = setup_inputs()
    print(jax.jit(kernel)(*tuple(_d.values())))

</pallas_src>

<mosaic_0001>
#map = affine_map<(d0, d1) -> (0, 0)>
#map1 = affine_map<(d0, d1) -> (0)>
module attributes {stable_mosaic.version = 14 : i64} {
  func.func @k(%arg0: i32, %arg1: i32, %arg2: memref<16384x4096xf32, #tpu.memory_space<hbm>>, %arg3: memref<2048x8xi32, #tpu.memory_space<hbm>>, %arg4: memref<128x128xi32, #tpu.memory_space<hbm>>, %arg5: memref<128x128xi32, #tpu.memory_space<hbm>>, %arg6: memref<16384x4096xf32, #tpu.memory_space<hbm>>, %arg7: memref<16384xi32, #tpu.memory_space<hbm>>, %arg8: memref<64x8xi32, #tpu.memory_space<vmem>>, %arg9: memref<4x128xi32, #tpu.memory_space<vmem>>, %arg10: memref<4x128xi32, #tpu.memory_space<vmem>>, %arg11: memref<8x4096xf32, #tpu.memory_space<vmem>>, %arg12: memref<8x4096xf32, #tpu.memory_space<vmem>>, %arg13: memref<!tpu.dma_semaphore, #tpu.memory_space<semaphore_mem>>, %arg14: memref<!tpu.dma_semaphore, #tpu.memory_space<semaphore_mem>>, %arg15: memref<!tpu.dma_semaphore, #tpu.memory_space<semaphore_mem>>, %arg16: memref<!tpu.dma_semaphore, #tpu.memory_space<semaphore_mem>>, %arg17: memref<!tpu.dma_semaphore, #tpu.memory_space<semaphore_mem>>) attributes {dimension_semantics = [#tpu.dimension_semantics<core_parallel>, #tpu.dimension_semantics<subcore_parallel>], iteration_bounds = array<i64: 2, 16>, scalar_prefetch = 0 : i64, scratch_operands = 10 : i64, tpu.core_type = #tpu.core_type<sc_vector_subcore>, window_params = [{transform_indices = #map}, {transform_indices = #map}, {transform_indices = #map}, {transform_indices = #map}, {transform_indices = #map}, {transform_indices = #map1}]} {
    %mul3A = arith.constant 2 : i32
    %mul3A_0 = arith.muli %arg1, %mul3A : i32
    %add3A = arith.addi %mul3A_0, %arg0 : i32
    %mul3A_1 = arith.constant 512 : i32
    %mul3A_2 = arith.muli %add3A, %mul3A_1 : i32
    %mul3A_3 = arith.constant 64 : i32
    %mul3A_4 = arith.muli %add3A, %mul3A_3 : i32
    "tpu.region"() ({
      %run_scoped3A = tpu.sem_alloc : memref<!tpu.dma_semaphore, #tpu.memory_space<semaphore_mem>>
      %dma_start3A_112 = arith.constant 0 : i32
      %dma_start3A_113 = tpu.memref_slice %arg3[%mul3A_4, %dma_start3A_112] : memref<2048x8xi32, #tpu.memory_space<hbm>> -> memref<64x8xi32, #tpu.memory_space<hbm>>
      %dma_start3A_114 = arith.constant 0 : i32
      %dma_start3A_115 = tpu.memref_slice %arg3[%mul3A_4, %dma_start3A_114] : memref<2048x8xi32, #tpu.memory_space<hbm>> -> memref<64x8xi32, #tpu.memory_space<hbm>>
      tpu.enqueue_dma source(%dma_start3A_115 : memref<64x8xi32, #tpu.memory_space<hbm>>) target(%arg8 : memref<64x8xi32, #tpu.memory_space<vmem>>) target_semaphore(%run_scoped3A : memref<!tpu.dma_semaphore, #tpu.memory_space<semaphore_mem>>)
      %dma_wait3A_116 = arith.constant 0 : i32
      %dma_wait3A_117 = tpu.memref_slice %arg3[%mul3A_4, %dma_wait3A_116] : memref<2048x8xi32, #tpu.memory_space<hbm>> -> memref<64x8xi32, #tpu.memory_space<hbm>>
      %dma_wait3A_118 = arith.constant 0 : i32
      %dma_wait3A_119 = tpu.memref_slice %arg3[%mul3A_4, %dma_wait3A_118] : memref<2048x8xi32, #tpu.memory_space<hbm>> -> memref<64x8xi32, #tpu.memory_space<hbm>>
      tpu.wait_dma2 semaphore(%run_scoped3A : memref<!tpu.dma_semaphore, #tpu.memory_space<semaphore_mem>>) src(%dma_wait3A_119 : memref<64x8xi32, #tpu.memory_space<hbm>>) dst(%arg8 : memref<64x8xi32, #tpu.memory_space<vmem>>)
      tpu.yield
    }) : () -> ()
    %mul3A_5 = arith.constant 4 : i32
    %mul3A_6 = arith.muli %add3A, %mul3A_5 : i32
    "tpu.region"() ({
      %run_scoped3A = tpu.sem_alloc : memref<!tpu.dma_semaphore, #tpu.memory_space<semaphore_mem>>
      %dma_start3A_112 = arith.constant 0 : i32
      %dma_start3A_113 = tpu.memref_slice %arg4[%mul3A_6, %dma_start3A_112] : memref<128x128xi32, #tpu.memory_space<hbm>> -> memref<4x128xi32, #tpu.memory_space<hbm>>
      %dma_start3A_114 = arith.constant 0 : i32
      %dma_start3A_115 = tpu.memref_slice %arg4[%mul3A_6, %dma_start3A_114] : memref<128x128xi32, #tpu.memory_space<hbm>> -> memref<4x128xi32, #tpu.memory_space<hbm>>
      tpu.enqueue_dma source(%dma_start3A_115 : memref<4x128xi32, #tpu.memory_space<hbm>>) target(%arg9 : memref<4x128xi32, #tpu.memory_space<vmem>>) target_semaphore(%run_scoped3A : memref<!tpu.dma_semaphore, #tpu.memory_space<semaphore_mem>>)
      %dma_wait3A_116 = arith.constant 0 : i32
      %dma_wait3A_117 = tpu.memref_slice %arg4[%mul3A_6, %dma_wait3A_116] : memref<128x128xi32, #tpu.memory_space<hbm>> -> memref<4x128xi32, #tpu.memory_space<hbm>>
      %dma_wait3A_118 = arith.constant 0 : i32
      %dma_wait3A_119 = tpu.memref_slice %arg4[%mul3A_6, %dma_wait3A_118] : memref<128x128xi32, #tpu.memory_space<hbm>> -> memref<4x128xi32, #tpu.memory_space<hbm>>
      tpu.wait_dma2 semaphore(%run_scoped3A : memref<!tpu.dma_semaphore, #tpu.memory_space<semaphore_mem>>) src(%dma_wait3A_119 : memref<4x128xi32, #tpu.memory_space<hbm>>) dst(%arg9 : memref<4x128xi32, #tpu.memory_space<vmem>>)
      tpu.yield
    }) : () -> ()
    %mul3A_7 = arith.constant 4 : i32
    %mul3A_8 = arith.muli %add3A, %mul3A_7 : i32
    "tpu.region"() ({
      %run_scoped3A = tpu.sem_alloc : memref<!tpu.dma_semaphore, #tpu.memory_space<semaphore_mem>>
      %dma_start3A_112 = arith.constant 0 : i32
      %dma_start3A_113 = tpu.memref_slice %arg5[%mul3A_8, %dma_start3A_112] : memref<128x128xi32, #tpu.memory_space<hbm>> -> memref<4x128xi32, #tpu.memory_space<hbm>>
      %dma_start3A_114 = arith.constant 0 : i32
      %dma_start3A_115 = tpu.memref_slice %arg5[%mul3A_8, %dma_start3A_114] : memref<128x128xi32, #tpu.memory_space<hbm>> -> memref<4x128xi32, #tpu.memory_space<hbm>>
      tpu.enqueue_dma source(%dma_start3A_115 : memref<4x128xi32, #tpu.memory_space<hbm>>) target(%arg10 : memref<4x128xi32, #tpu.memory_space<vmem>>) target_semaphore(%run_scoped3A : memref<!tpu.dma_semaphore, #tpu.memory_space<semaphore_mem>>)
      %dma_wait3A_116 = arith.constant 0 : i32
      %dma_wait3A_117 = tpu.memref_slice %arg5[%mul3A_8, %dma_wait3A_116] : memref<128x128xi32, #tpu.memory_space<hbm>> -> memref<4x128xi32, #tpu.memory_space<hbm>>
      %dma_wait3A_118 = arith.constant 0 : i32
      %dma_wait3A_119 = tpu.memref_slice %arg5[%mul3A_8, %dma_wait3A_118] : memref<128x128xi32, #tpu.memory_space<hbm>> -> memref<4x128xi32, #tpu.memory_space<hbm>>
      tpu.wait_dma2 semaphore(%run_scoped3A : memref<!tpu.dma_semaphore, #tpu.memory_space<semaphore_mem>>) src(%dma_wait3A_119 : memref<4x128xi32, #tpu.memory_space<hbm>>) dst(%arg10 : memref<4x128xi32, #tpu.memory_space<vmem>>)
      tpu.yield
    }) : () -> ()
    %dma_start3A = arith.constant 0 : i32
    %dma_start3A_9 = arith.constant 0 : i32
    %dma_start3A_10 = arith.constant 0 : i32
    %dma_start3A_11 = tpu.memref_slice %arg10[%dma_start3A, %dma_start3A_10] : memref<4x128xi32, #tpu.memory_space<vmem>> -> memref<1x128xi32, #tpu.memory_space<vmem>>
    %dma_start3A_12 = tpu.memref_squeeze %dma_start3A_11 : memref<1x128xi32, #tpu.memory_space<vmem>> -> memref<128xi32, #tpu.memory_space<vmem>>
    %dma_start3A_13 = arith.constant 0 : i32
    %dma_start3A_14 = tpu.memref_slice %arg9[%dma_start3A_9, %dma_start3A_13] : memref<4x128xi32, #tpu.memory_space<vmem>> -> memref<1x128xi32, #tpu.memory_space<vmem>>
    %dma_start3A_15 = tpu.memref_squeeze %dma_start3A_14 : memref<1x128xi32, #tpu.memory_space<vmem>> -> memref<128xi32, #tpu.memory_space<vmem>>
    %dma_start3A_16 = arith.constant 0 : i32
    %dma_start3A_17 = tpu.memref_slice %arg7[%dma_start3A_16] : memref<16384xi32, #tpu.memory_space<hbm>> -> memref<16384xi32, #tpu.memory_space<hbm>>
    tpu.enqueue_indirect_dma source(%dma_start3A_12 : memref<128xi32, #tpu.memory_space<vmem>>) target(%dma_start3A_17 : memref<16384xi32, #tpu.memory_space<hbm>>) offsets(%dma_start3A_15 : memref<128xi32, #tpu.memory_space<vmem>>) semaphore(%arg17 : memref<!tpu.dma_semaphore, #tpu.memory_space<semaphore_mem>>)
    %dma_start3A_18 = arith.constant 1 : i32
    %dma_start3A_19 = arith.constant 1 : i32
    %dma_start3A_20 = arith.constant 0 : i32
    %dma_start3A_21 = tpu.memref_slice %arg10[%dma_start3A_18, %dma_start3A_20] : memref<4x128xi32, #tpu.memory_space<vmem>> -> memref<1x128xi32, #tpu.memory_space<vmem>>
    %dma_start3A_22 = tpu.memref_squeeze %dma_start3A_21 : memref<1x128xi32, #tpu.memory_space<vmem>> -> memref<128xi32, #tpu.memory_space<vmem>>
    %dma_start3A_23 = arith.constant 0 : i32
    %dma_start3A_24 = tpu.memref_slice %arg9[%dma_start3A_19, %dma_start3A_23] : memref<4x128xi32, #tpu.memory_space<vmem>> -> memref<1x128xi32, #tpu.memory_space<vmem>>
    %dma_start3A_25 = tpu.memref_squeeze %dma_start3A_24 : memref<1x128xi32, #tpu.memory_space<vmem>> -> memref<128xi32, #tpu.memory_space<vmem>>
    %dma_start3A_26 = arith.constant 0 : i32
    %dma_start3A_27 = tpu.memref_slice %arg7[%dma_start3A_26] : memref<16384xi32, #tpu.memory_space<hbm>> -> memref<16384xi32, #tpu.memory_space<hbm>>
    tpu.enqueue_indirect_dma source(%dma_start3A_22 : memref<128xi32, #tpu.memory_space<vmem>>) target(%dma_start3A_27 : memref<16384xi32, #tpu.memory_space<hbm>>) offsets(%dma_start3A_25 : memref<128xi32, #tpu.memory_space<vmem>>) semaphore(%arg17 : memref<!tpu.dma_semaphore, #tpu.memory_space<semaphore_mem>>)
    %dma_start3A_28 = arith.constant 2 : i32
    %dma_start3A_29 = arith.constant 2 : i32
    %dma_start3A_30 = arith.constant 0 : i32
    %dma_start3A_31 = tpu.memref_slice %arg10[%dma_start3A_28, %dma_start3A_30] : memref<4x128xi32, #tpu.memory_space<vmem>> -> memref<1x128xi32, #tpu.memory_space<vmem>>
    %dma_start3A_32 = tpu.memref_squeeze %dma_start3A_31 : memref<1x128xi32, #tpu.memory_space<vmem>> -> memref<128xi32, #tpu.memory_space<vmem>>
    %dma_start3A_33 = arith.constant 0 : i32
    %dma_start3A_34 = tpu.memref_slice %arg9[%dma_start3A_29, %dma_start3A_33] : memref<4x128xi32, #tpu.memory_space<vmem>> -> memref<1x128xi32, #tpu.memory_space<vmem>>
    %dma_start3A_35 = tpu.memref_squeeze %dma_start3A_34 : memref<1x128xi32, #tpu.memory_space<vmem>> -> memref<128xi32, #tpu.memory_space<vmem>>
    %dma_start3A_36 = arith.constant 0 : i32
    %dma_start3A_37 = tpu.memref_slice %arg7[%dma_start3A_36] : memref<16384xi32, #tpu.memory_space<hbm>> -> memref<16384xi32, #tpu.memory_space<hbm>>
    tpu.enqueue_indirect_dma source(%dma_start3A_32 : memref<128xi32, #tpu.memory_space<vmem>>) target(%dma_start3A_37 : memref<16384xi32, #tpu.memory_space<hbm>>) offsets(%dma_start3A_35 : memref<128xi32, #tpu.memory_space<vmem>>) semaphore(%arg17 : memref<!tpu.dma_semaphore, #tpu.memory_space<semaphore_mem>>)
    %dma_start3A_38 = arith.constant 3 : i32
    %dma_start3A_39 = arith.constant 3 : i32
    %dma_start3A_40 = arith.constant 0 : i32
    %dma_start3A_41 = tpu.memref_slice %arg10[%dma_start3A_38, %dma_start3A_40] : memref<4x128xi32, #tpu.memory_space<vmem>> -> memref<1x128xi32, #tpu.memory_space<vmem>>
    %dma_start3A_42 = tpu.memref_squeeze %dma_start3A_41 : memref<1x128xi32, #tpu.memory_space<vmem>> -> memref<128xi32, #tpu.memory_space<vmem>>
    %dma_start3A_43 = arith.constant 0 : i32
    %dma_start3A_44 = tpu.memref_slice %arg9[%dma_start3A_39, %dma_start3A_43] : memref<4x128xi32, #tpu.memory_space<vmem>> -> memref<1x128xi32, #tpu.memory_space<vmem>>
    %dma_start3A_45 = tpu.memref_squeeze %dma_start3A_44 : memref<1x128xi32, #tpu.memory_space<vmem>> -> memref<128xi32, #tpu.memory_space<vmem>>
    %dma_start3A_46 = arith.constant 0 : i32
    %dma_start3A_47 = tpu.memref_slice %arg7[%dma_start3A_46] : memref<16384xi32, #tpu.memory_space<hbm>> -> memref<16384xi32, #tpu.memory_space<hbm>>
    tpu.enqueue_indirect_dma source(%dma_start3A_42 : memref<128xi32, #tpu.memory_space<vmem>>) target(%dma_start3A_47 : memref<16384xi32, #tpu.memory_space<hbm>>) offsets(%dma_start3A_45 : memref<128xi32, #tpu.memory_space<vmem>>) semaphore(%arg17 : memref<!tpu.dma_semaphore, #tpu.memory_space<semaphore_mem>>)
    %add3A_48 = arith.constant 0 : i32
    %add3A_49 = arith.addi %mul3A_2, %add3A_48 : i32
    %dma_start3A_50 = arith.constant 0 : i32
    %dma_start3A_51 = tpu.memref_slice %arg2[%add3A_49, %dma_start3A_50] : memref<16384x4096xf32, #tpu.memory_space<hbm>> -> memref<8x4096xf32, #tpu.memory_space<hbm>>
    %dma_start3A_52 = arith.constant 0 : i32
    %dma_start3A_53 = tpu.memref_slice %arg2[%add3A_49, %dma_start3A_52] : memref<16384x4096xf32, #tpu.memory_space<hbm>> -> memref<8x4096xf32, #tpu.memory_space<hbm>>
    tpu.enqueue_dma source(%dma_start3A_53 : memref<8x4096xf32, #tpu.memory_space<hbm>>) target(%arg11 : memref<8x4096xf32, #tpu.memory_space<vmem>>) target_semaphore(%arg13 : memref<!tpu.dma_semaphore, #tpu.memory_space<semaphore_mem>>)
    %scan3A = arith.constant 0 : i32
    %scan3A_54 = arith.constant 0 : i32
    %scan3A_55 = arith.constant 32 : i32
    %scan3A_56 = arith.addi %scan3A_54, %scan3A_55 : i32
    %scan3A_57 = arith.constant 1 : i32
    scf.for %scan3A_112 = %scan3A_54 to %scan3A_56 step %scan3A_57  : i32 {
      %mul3A_113 = arith.constant 2 : i32
      %mul3A_114 = arith.muli %scan3A_112, %mul3A_113 : i32
      %add3A_115 = arith.constant 1 : i32
      %add3A_116 = arith.addi %mul3A_114, %add3A_115 : i32
      %ge3A = arith.constant 2 : i32
      %ge3A_117 = arith.cmpi sge, %add3A_116, %ge3A : i32
      %convert_element_type3A = arith.extui %ge3A_117 : i1 to i32
      %cond3A = arith.constant 0 : i32
      %cond3A_118 = arith.cmpi ne, %convert_element_type3A, %cond3A : i32
      scf.if %cond3A_118 {
        %dma_wait3A_160 = arith.constant 0 : i32
        %dma_wait3A_161 = arith.constant 0 : i32
        %dma_wait3A_162 = tpu.memref_slice %arg8[%dma_wait3A_160, %dma_wait3A_161] : memref<64x8xi32, #tpu.memory_space<vmem>> -> memref<1x8xi32, #tpu.memory_space<vmem>>
        %dma_wait3A_163 = tpu.memref_squeeze %dma_wait3A_162 : memref<1x8xi32, #tpu.memory_space<vmem>> -> memref<8xi32, #tpu.memory_space<vmem>>
        %dma_wait3A_164 = arith.constant 0 : i32
        %dma_wait3A_165 = arith.constant 0 : i32
        %dma_wait3A_166 = tpu.memref_slice %arg6[%dma_wait3A_164, %dma_wait3A_165] : memref<16384x4096xf32, #tpu.memory_space<hbm>> -> memref<16384x4096xf32, #tpu.memory_space<hbm>>
        tpu.wait_indirect_dma semaphore(%arg16 : memref<!tpu.dma_semaphore, #tpu.memory_space<semaphore_mem>>) src(%arg12 : memref<8x4096xf32, #tpu.memory_space<vmem>>) dst(%dma_wait3A_166 : memref<16384x4096xf32, #tpu.memory_space<hbm>>)
      } else {
      }
      %mul3A_119 = arith.constant 8 : i32
      %mul3A_120 = arith.muli %add3A_116, %mul3A_119 : i32
      %add3A_121 = arith.addi %mul3A_2, %mul3A_120 : i32
      %dma_start3A_122 = arith.constant 0 : i32
      %dma_start3A_123 = tpu.memref_slice %arg2[%add3A_121, %dma_start3A_122] : memref<16384x4096xf32, #tpu.memory_space<hbm>> -> memref<8x4096xf32, #tpu.memory_space<hbm>>
      %dma_start3A_124 = arith.constant 0 : i32
      %dma_start3A_125 = tpu.memref_slice %arg2[%add3A_121, %dma_start3A_124] : memref<16384x4096xf32, #tpu.memory_space<hbm>> -> memref<8x4096xf32, #tpu.memory_space<hbm>>
      tpu.enqueue_dma source(%dma_start3A_125 : memref<8x4096xf32, #tpu.memory_space<hbm>>) target(%arg12 : memref<8x4096xf32, #tpu.memory_space<vmem>>) target_semaphore(%arg14 : memref<!tpu.dma_semaphore, #tpu.memory_space<semaphore_mem>>)
      %mul3A_126 = arith.constant 8 : i32
      %mul3A_127 = arith.muli %mul3A_114, %mul3A_126 : i32
      %add3A_128 = arith.addi %mul3A_2, %mul3A_127 : i32
      %dma_wait3A_129 = arith.constant 0 : i32
      %dma_wait3A_130 = tpu.memref_slice %arg2[%add3A_128, %dma_wait3A_129] : memref<16384x4096xf32, #tpu.memory_space<hbm>> -> memref<8x4096xf32, #tpu.memory_space<hbm>>
      %dma_wait3A_131 = arith.constant 0 : i32
      %dma_wait3A_132 = tpu.memref_slice %arg2[%add3A_128, %dma_wait3A_131] : memref<16384x4096xf32, #tpu.memory_space<hbm>> -> memref<8x4096xf32, #tpu.memory_space<hbm>>
      tpu.wait_dma2 semaphore(%arg13 : memref<!tpu.dma_semaphore, #tpu.memory_space<semaphore_mem>>) src(%dma_wait3A_132 : memref<8x4096xf32, #tpu.memory_space<hbm>>) dst(%arg11 : memref<8x4096xf32, #tpu.memory_space<vmem>>)
      %dma_start3A_133 = arith.constant 0 : i32
      %dma_start3A_134 = tpu.memref_slice %arg8[%mul3A_114, %dma_start3A_133] : memref<64x8xi32, #tpu.memory_space<vmem>> -> memref<1x8xi32, #tpu.memory_space<vmem>>
      %dma_start3A_135 = tpu.memref_squeeze %dma_start3A_134 : memref<1x8xi32, #tpu.memory_space<vmem>> -> memref<8xi32, #tpu.memory_space<vmem>>
      %dma_start3A_136 = arith.constant 0 : i32
      %dma_start3A_137 = arith.constant 0 : i32
      %dma_start3A_138 = tpu.memref_slice %arg6[%dma_start3A_136, %dma_start3A_137] : memref<16384x4096xf32, #tpu.memory_space<hbm>> -> memref<16384x4096xf32, #tpu.memory_space<hbm>>
      tpu.enqueue_indirect_dma source(%arg11 : memref<8x4096xf32, #tpu.memory_space<vmem>>) target(%dma_start3A_138 : memref<16384x4096xf32, #tpu.memory_space<hbm>>) offsets(%dma_start3A_135 : memref<8xi32, #tpu.memory_space<vmem>>) semaphore(%arg15 : memref<!tpu.dma_semaphore, #tpu.memory_space<semaphore_mem>>)
      %add3A_139 = arith.constant 2 : i32
      %add3A_140 = arith.addi %mul3A_114, %add3A_139 : i32
      %lt3A = arith.constant 64 : i32
      %lt3A_141 = arith.cmpi slt, %add3A_140, %lt3A : i32
      %convert_element_type3A_142 = arith.extui %lt3A_141 : i1 to i32
      %cond3A_143 = arith.constant 0 : i32
      %cond3A_144 = arith.cmpi ne, %convert_element_type3A_142, %cond3A_143 : i32
      scf.if %cond3A_144 {
        %add3A_160 = arith.constant 2 : i32
        %add3A_161 = arith.addi %mul3A_114, %add3A_160 : i32
        %ge3A_162 = arith.constant 2 : i32
        %ge3A_163 = arith.cmpi sge, %add3A_161, %ge3A_162 : i32
        %convert_element_type3A_164 = arith.extui %ge3A_163 : i1 to i32
        %cond3A_165 = arith.constant 0 : i32
        %cond3A_166 = arith.cmpi ne, %convert_element_type3A_164, %cond3A_165 : i32
        scf.if %cond3A_166 {
          %dma_wait3A_174 = arith.constant 0 : i32
          %dma_wait3A_175 = arith.constant 0 : i32
          %dma_wait3A_176 = tpu.memref_slice %arg8[%dma_wait3A_174, %dma_wait3A_175] : memref<64x8xi32, #tpu.memory_space<vmem>> -> memref<1x8xi32, #tpu.memory_space<vmem>>
          %dma_wait3A_177 = tpu.memref_squeeze %dma_wait3A_176 : memref<1x8xi32, #tpu.memory_space<vmem>> -> memref<8xi32, #tpu.memory_space<vmem>>
          %dma_wait3A_178 = arith.constant 0 : i32
          %dma_wait3A_179 = arith.constant 0 : i32
          %dma_wait3A_180 = tpu.memref_slice %arg6[%dma_wait3A_178, %dma_wait3A_179] : memref<16384x4096xf32, #tpu.memory_space<hbm>> -> memref<16384x4096xf32, #tpu.memory_space<hbm>>
          tpu.wait_indirect_dma semaphore(%arg15 : memref<!tpu.dma_semaphore, #tpu.memory_space<semaphore_mem>>) src(%arg11 : memref<8x4096xf32, #tpu.memory_space<vmem>>) dst(%dma_wait3A_180 : memref<16384x4096xf32, #tpu.memory_space<hbm>>)
        } else {
        }
        %mul3A_167 = arith.constant 8 : i32
        %mul3A_168 = arith.muli %add3A_161, %mul3A_167 : i32
        %add3A_169 = arith.addi %mul3A_2, %mul3A_168 : i32
        %dma_start3A_170 = arith.constant 0 : i32
        %dma_start3A_171 = tpu.memref_slice %arg2[%add3A_169, %dma_start3A_170] : memref<16384x4096xf32, #tpu.memory_space<hbm>> -> memref<8x4096xf32, #tpu.memory_space<hbm>>
        %dma_start3A_172 = arith.constant 0 : i32
        %dma_start3A_173 = tpu.memref_slice %arg2[%add3A_169, %dma_start3A_172] : memref<16384x4096xf32, #tpu.memory_space<hbm>> -> memref<8x4096xf32, #tpu.memory_space<hbm>>
        tpu.enqueue_dma source(%dma_start3A_173 : memref<8x4096xf32, #tpu.memory_space<hbm>>) target(%arg11 : memref<8x4096xf32, #tpu.memory_space<vmem>>) target_semaphore(%arg13 : memref<!tpu.dma_semaphore, #tpu.memory_space<semaphore_mem>>)
      } else {
      }
      %add3A_145 = arith.constant 1 : i32
      %add3A_146 = arith.addi %mul3A_114, %add3A_145 : i32
      %mul3A_147 = arith.constant 8 : i32
      %mul3A_148 = arith.muli %add3A_146, %mul3A_147 : i32
      %add3A_149 = arith.addi %mul3A_2, %mul3A_148 : i32
      %dma_wait3A_150 = arith.constant 0 : i32
      %dma_wait3A_151 = tpu.memref_slice %arg2[%add3A_149, %dma_wait3A_150] : memref<16384x4096xf32, #tpu.memory_space<hbm>> -> memref<8x4096xf32, #tpu.memory_space<hbm>>
      %dma_wait3A_152 = arith.constant 0 : i32
      %dma_wait3A_153 = tpu.memref_slice %arg2[%add3A_149, %dma_wait3A_152] : memref<16384x4096xf32, #tpu.memory_space<hbm>> -> memref<8x4096xf32, #tpu.memory_space<hbm>>
      tpu.wait_dma2 semaphore(%arg14 : memref<!tpu.dma_semaphore, #tpu.memory_space<semaphore_mem>>) src(%dma_wait3A_153 : memref<8x4096xf32, #tpu.memory_space<hbm>>) dst(%arg12 : memref<8x4096xf32, #tpu.memory_space<vmem>>)
      %dma_start3A_154 = arith.constant 0 : i32
      %dma_start3A_155 = tpu.memref_slice %arg8[%add3A_146, %dma_start3A_154] : memref<64x8xi32, #tpu.memory_space<vmem>> -> memref<1x8xi32, #tpu.memory_space<vmem>>
      %dma_start3A_156 = tpu.memref_squeeze %dma_start3A_155 : memref<1x8xi32, #tpu.memory_space<vmem>> -> memref<8xi32, #tpu.memory_space<vmem>>
      %dma_start3A_157 = arith.constant 0 : i32
      %dma_start3A_158 = arith.constant 0 : i32
      %dma_start3A_159 = tpu.memref_slice %arg6[%dma_start3A_157, %dma_start3A_158] : memref<16384x4096xf32, #tpu.memory_space<hbm>> -> memref<16384x4096xf32, #tpu.memory_space<hbm>>
      tpu.enqueue_indirect_dma source(%arg12 : memref<8x4096xf32, #tpu.memory_space<vmem>>) target(%dma_start3A_159 : memref<16384x4096xf32, #tpu.memory_space<hbm>>) offsets(%dma_start3A_156 : memref<8xi32, #tpu.memory_space<vmem>>) semaphore(%arg16 : memref<!tpu.dma_semaphore, #tpu.memory_space<semaphore_mem>>)
    }
    %scan3A_58 = arith.constant 32 : i32
    %dma_wait3A = arith.constant 0 : i32
    %dma_wait3A_59 = arith.constant 0 : i32
    %dma_wait3A_60 = tpu.memref_slice %arg8[%dma_wait3A, %dma_wait3A_59] : memref<64x8xi32, #tpu.memory_space<vmem>> -> memref<1x8xi32, #tpu.memory_space<vmem>>
    %dma_wait3A_61 = tpu.memref_squeeze %dma_wait3A_60 : memref<1x8xi32, #tpu.memory_space<vmem>> -> memref<8xi32, #tpu.memory_space<vmem>>
    %dma_wait3A_62 = arith.constant 0 : i32
    %dma_wait3A_63 = arith.constant 0 : i32
    %dma_wait3A_64 = tpu.memref_slice %arg6[%dma_wait3A_62, %dma_wait3A_63] : memref<16384x4096xf32, #tpu.memory_space<hbm>> -> memref<16384x4096xf32, #tpu.memory_space<hbm>>
    tpu.wait_indirect_dma semaphore(%arg15 : memref<!tpu.dma_semaphore, #tpu.memory_space<semaphore_mem>>) src(%arg11 : memref<8x4096xf32, #tpu.memory_space<vmem>>) dst(%dma_wait3A_64 : memref<16384x4096xf32, #tpu.memory_space<hbm>>)
    %dma_wait3A_65 = arith.constant 0 : i32
    %dma_wait3A_66 = arith.constant 0 : i32
    %dma_wait3A_67 = tpu.memref_slice %arg8[%dma_wait3A_65, %dma_wait3A_66] : memref<64x8xi32, #tpu.memory_space<vmem>> -> memref<1x8xi32, #tpu.memory_space<vmem>>
    %dma_wait3A_68 = tpu.memref_squeeze %dma_wait3A_67 : memref<1x8xi32, #tpu.memory_space<vmem>> -> memref<8xi32, #tpu.memory_space<vmem>>
    %dma_wait3A_69 = arith.constant 0 : i32
    %dma_wait3A_70 = arith.constant 0 : i32
    %dma_wait3A_71 = tpu.memref_slice %arg6[%dma_wait3A_69, %dma_wait3A_70] : memref<16384x4096xf32, #tpu.memory_space<hbm>> -> memref<16384x4096xf32, #tpu.memory_space<hbm>>
    tpu.wait_indirect_dma semaphore(%arg16 : memref<!tpu.dma_semaphore, #tpu.memory_space<semaphore_mem>>) src(%arg12 : memref<8x4096xf32, #tpu.memory_space<vmem>>) dst(%dma_wait3A_71 : memref<16384x4096xf32, #tpu.memory_space<hbm>>)
    %dma_wait3A_72 = arith.constant 0 : i32
    %dma_wait3A_73 = arith.constant 0 : i32
    %dma_wait3A_74 = arith.constant 0 : i32
    %dma_wait3A_75 = tpu.memref_slice %arg10[%dma_wait3A_72, %dma_wait3A_74] : memref<4x128xi32, #tpu.memory_space<vmem>> -> memref<1x128xi32, #tpu.memory_space<vmem>>
    %dma_wait3A_76 = tpu.memref_squeeze %dma_wait3A_75 : memref<1x128xi32, #tpu.memory_space<vmem>> -> memref<128xi32, #tpu.memory_space<vmem>>
    %dma_wait3A_77 = arith.constant 0 : i32
    %dma_wait3A_78 = tpu.memref_slice %arg9[%dma_wait3A_73, %dma_wait3A_77] : memref<4x128xi32, #tpu.memory_space<vmem>> -> memref<1x128xi32, #tpu.memory_space<vmem>>
    %dma_wait3A_79 = tpu.memref_squeeze %dma_wait3A_78 : memref<1x128xi32, #tpu.memory_space<vmem>> -> memref<128xi32, #tpu.memory_space<vmem>>
    %dma_wait3A_80 = arith.constant 0 : i32
    %dma_wait3A_81 = tpu.memref_slice %arg7[%dma_wait3A_80] : memref<16384xi32, #tpu.memory_space<hbm>> -> memref<16384xi32, #tpu.memory_space<hbm>>
    tpu.wait_indirect_dma semaphore(%arg17 : memref<!tpu.dma_semaphore, #tpu.memory_space<semaphore_mem>>) src(%dma_wait3A_76 : memref<128xi32, #tpu.memory_space<vmem>>) dst(%dma_wait3A_81 : memref<16384xi32, #tpu.memory_space<hbm>>)
    %dma_wait3A_82 = arith.constant 1 : i32
    %dma_wait3A_83 = arith.constant 1 : i32
    %dma_wait3A_84 = arith.constant 0 : i32
    %dma_wait3A_85 = tpu.memref_slice %arg10[%dma_wait3A_82, %dma_wait3A_84] : memref<4x128xi32, #tpu.memory_space<vmem>> -> memref<1x128xi32, #tpu.memory_space<vmem>>
    %dma_wait3A_86 = tpu.memref_squeeze %dma_wait3A_85 : memref<1x128xi32, #tpu.memory_space<vmem>> -> memref<128xi32, #tpu.memory_space<vmem>>
    %dma_wait3A_87 = arith.constant 0 : i32
    %dma_wait3A_88 = tpu.memref_slice %arg9[%dma_wait3A_83, %dma_wait3A_87] : memref<4x128xi32, #tpu.memory_space<vmem>> -> memref<1x128xi32, #tpu.memory_space<vmem>>
    %dma_wait3A_89 = tpu.memref_squeeze %dma_wait3A_88 : memref<1x128xi32, #tpu.memory_space<vmem>> -> memref<128xi32, #tpu.memory_space<vmem>>
    %dma_wait3A_90 = arith.constant 0 : i32
    %dma_wait3A_91 = tpu.memref_slice %arg7[%dma_wait3A_90] : memref<16384xi32, #tpu.memory_space<hbm>> -> memref<16384xi32, #tpu.memory_space<hbm>>
    tpu.wait_indirect_dma semaphore(%arg17 : memref<!tpu.dma_semaphore, #tpu.memory_space<semaphore_mem>>) src(%dma_wait3A_86 : memref<128xi32, #tpu.memory_space<vmem>>) dst(%dma_wait3A_91 : memref<16384xi32, #tpu.memory_space<hbm>>)
    %dma_wait3A_92 = arith.constant 2 : i32
    %dma_wait3A_93 = arith.constant 2 : i32
    %dma_wait3A_94 = arith.constant 0 : i32
    %dma_wait3A_95 = tpu.memref_slice %arg10[%dma_wait3A_92, %dma_wait3A_94] : memref<4x128xi32, #tpu.memory_space<vmem>> -> memref<1x128xi32, #tpu.memory_space<vmem>>
    %dma_wait3A_96 = tpu.memref_squeeze %dma_wait3A_95 : memref<1x128xi32, #tpu.memory_space<vmem>> -> memref<128xi32, #tpu.memory_space<vmem>>
    %dma_wait3A_97 = arith.constant 0 : i32
    %dma_wait3A_98 = tpu.memref_slice %arg9[%dma_wait3A_93, %dma_wait3A_97] : memref<4x128xi32, #tpu.memory_space<vmem>> -> memref<1x128xi32, #tpu.memory_space<vmem>>
    %dma_wait3A_99 = tpu.memref_squeeze %dma_wait3A_98 : memref<1x128xi32, #tpu.memory_space<vmem>> -> memref<128xi32, #tpu.memory_space<vmem>>
    %dma_wait3A_100 = arith.constant 0 : i32
    %dma_wait3A_101 = tpu.memref_slice %arg7[%dma_wait3A_100] : memref<16384xi32, #tpu.memory_space<hbm>> -> memref<16384xi32, #tpu.memory_space<hbm>>
    tpu.wait_indirect_dma semaphore(%arg17 : memref<!tpu.dma_semaphore, #tpu.memory_space<semaphore_mem>>) src(%dma_wait3A_96 : memref<128xi32, #tpu.memory_space<vmem>>) dst(%dma_wait3A_101 : memref<16384xi32, #tpu.memory_space<hbm>>)
    %dma_wait3A_102 = arith.constant 3 : i32
    %dma_wait3A_103 = arith.constant 3 : i32
    %dma_wait3A_104 = arith.constant 0 : i32
    %dma_wait3A_105 = tpu.memref_slice %arg10[%dma_wait3A_102, %dma_wait3A_104] : memref<4x128xi32, #tpu.memory_space<vmem>> -> memref<1x128xi32, #tpu.memory_space<vmem>>
    %dma_wait3A_106 = tpu.memref_squeeze %dma_wait3A_105 : memref<1x128xi32, #tpu.memory_space<vmem>> -> memref<128xi32, #tpu.memory_space<vmem>>
    %dma_wait3A_107 = arith.constant 0 : i32
    %dma_wait3A_108 = tpu.memref_slice %arg9[%dma_wait3A_103, %dma_wait3A_107] : memref<4x128xi32, #tpu.memory_space<vmem>> -> memref<1x128xi32, #tpu.memory_space<vmem>>
    %dma_wait3A_109 = tpu.memref_squeeze %dma_wait3A_108 : memref<1x128xi32, #tpu.memory_space<vmem>> -> memref<128xi32, #tpu.memory_space<vmem>>
    %dma_wait3A_110 = arith.constant 0 : i32
    %dma_wait3A_111 = tpu.memref_slice %arg7[%dma_wait3A_110] : memref<16384xi32, #tpu.memory_space<hbm>> -> memref<16384xi32, #tpu.memory_space<hbm>>
    tpu.wait_indirect_dma semaphore(%arg17 : memref<!tpu.dma_semaphore, #tpu.memory_space<semaphore_mem>>) src(%dma_wait3A_106 : memref<128xi32, #tpu.memory_space<vmem>>) dst(%dma_wait3A_111 : memref<16384xi32, #tpu.memory_space<hbm>>)
    return
  }
}

module attributes {stable_mosaic.version = 14 : i64} {
  func.func @_score_body(%arg0: i32, %arg1: i32, %arg2: memref<1024x256xf32, #tpu.memory_space<vmem>>, %arg3: memref<256x2048xf32, #tpu.memory_space<vmem>>, %arg4: memref<1x2048xf32, #tpu.memory_space<vmem>>, %arg5: memref<2048x1024xf32, #tpu.memory_space<vmem>>, %arg6: memref<1x1024xf32, #tpu.memory_space<vmem>>, %arg7: memref<1024x1xf32, #tpu.memory_space<vmem>>, %arg8: memref<1x1xf32, #tpu.memory_space<vmem>>, %arg9: memref<1x1x1024xf32, #tpu.memory_space<vmem>>, %arg10: memref<1024x2048xf32, #tpu.memory_space<vmem>>) attributes {dimension_semantics = [#tpu.dimension_semantics<arbitrary>, #tpu.dimension_semantics<arbitrary>], iteration_bounds = array<i64: 16, 16>, scalar_prefetch = 0 : i64, scratch_operands = 1 : i64, tpu.core_type = #tpu.core_type<tc>, window_params = [{transform_indices = @transform_0, window_bounds = array<i64: 1024, 256>}, {transform_indices = @transform_1, window_bounds = array<i64: 256, 2048>}, {pipeline_mode = #tpu.pipeline_mode<synchronous>, transform_indices = @transform_2, window_bounds = array<i64: 1, 2048>}, {pipeline_mode = #tpu.pipeline_mode<synchronous>, transform_indices = @transform_3, window_bounds = array<i64: 2048, 1024>}, {pipeline_mode = #tpu.pipeline_mode<synchronous>, transform_indices = @transform_4, window_bounds = array<i64: 1, 1024>}, {pipeline_mode = #tpu.pipeline_mode<synchronous>, transform_indices = @transform_5, window_bounds = array<i64: 1024, 1>}, {pipeline_mode = #tpu.pipeline_mode<synchronous>, transform_indices = @transform_6, window_bounds = array<i64: 1, 1>}, {transform_indices = @transform_7, window_bounds = array<i64: 1, 1, 1024>}]} {
    %eq3A = arith.constant 0 : i32
    %eq3A_0 = arith.cmpi eq, %arg1, %eq3A : i32
    %convert_element_type3A = arith.extui %eq3A_0 : i1 to i32
    %cond3A = arith.constant 0 : i32
    %cond3A_1 = arith.cmpi ne, %convert_element_type3A, %cond3A : i32
    scf.if %cond3A_1 {
      %broadcast_in_dim3A = arith.constant 0.000000e+00 : f32
      %broadcast_in_dim3A_18 = vector.broadcast %broadcast_in_dim3A : f32 to vector<1024x2048xf32>
      %swap3A_19 = arith.constant 0 : index
      %swap3A_20 = arith.constant 0 : index
      %swap3A_21 = vector.load %arg10[%swap3A_19, %swap3A_20] : memref<1024x2048xf32, #tpu.memory_space<vmem>>, vector<1024x2048xf32>
      tpu.vector_store %arg10[%swap3A_19, %swap3A_20], %broadcast_in_dim3A_18 {strides = array<i32>} : memref<1024x2048xf32, #tpu.memory_space<vmem>>, vector<1024x2048xf32>,
    } else {
    }
    %get3A = arith.constant 0 : index
    %get3A_2 = arith.constant 0 : index
    %get3A_3 = vector.load %arg10[%get3A, %get3A_2] : memref<1024x2048xf32, #tpu.memory_space<vmem>>, vector<1024x2048xf32>
    %get3A_4 = arith.constant 0 : index
    %get3A_5 = arith.constant 0 : index
    %get3A_6 = vector.load %arg2[%get3A_4, %get3A_5] : memref<1024x256xf32, #tpu.memory_space<vmem>>, vector<1024x256xf32>
    %get3A_7 = arith.constant 0 : index
    %get3A_8 = arith.constant 0 : index
    %get3A_9 = vector.load %arg3[%get3A_7, %get3A_8] : memref<256x2048xf32, #tpu.memory_space<vmem>>, vector<256x2048xf32>
    %dot_general3A = arith.constant dense<0.000000e+00> : vector<1024x2048xf32>
    %dot_general3A_10 = tpu.matmul %get3A_6, %get3A_9, %dot_general3A {dimension_numbers = #tpu.dot_dimension_numbers<[1], [0], [0], [1], [0, 0, 1, 1], [], []>, transpose_lhs_hint = false} : vector<1024x256xf32>, vector<256x2048xf32>, vector<1024x2048xf32> -> vector<1024x2048xf32>
    %add3A = arith.addf %get3A_3, %dot_general3A_10 : vector<1024x2048xf32>
    %swap3A = arith.constant 0 : index
    %swap3A_11 = arith.constant 0 : index
    %swap3A_12 = vector.load %arg10[%swap3A, %swap3A_11] : memref<1024x2048xf32, #tpu.memory_space<vmem>>, vector<1024x2048xf32>
    tpu.vector_store %arg10[%swap3A, %swap3A_11], %add3A {strides = array<i32>} : memref<1024x2048xf32, #tpu.memory_space<vmem>>, vector<1024x2048xf32>,
    %eq3A_13 = arith.constant 15 : i32
    %eq3A_14 = arith.cmpi eq, %arg1, %eq3A_13 : i32
    %convert_element_type3A_15 = arith.extui %eq3A_14 : i1 to i32
    %cond3A_16 = arith.constant 0 : i32
    %cond3A_17 = arith.cmpi ne, %convert_element_type3A_15, %cond3A_16 : i32
    scf.if %cond3A_17 {
      %get3A_18 = arith.constant 0 : index
      %get3A_19 = arith.constant 0 : index
      %get3A_20 = vector.load %arg10[%get3A_18, %get3A_19] : memref<1024x2048xf32, #tpu.memory_space<vmem>>, vector<1024x2048xf32>
      %get3A_21 = arith.constant 0 : index
      %get3A_22 = arith.constant 0 : index
      %get3A_23 = vector.load %arg4[%get3A_21, %get3A_22] : memref<1x2048xf32, #tpu.memory_space<vmem>>, vector<1x2048xf32>
      %add3A_24 = vector.broadcast %get3A_23 : vector<1x2048xf32> to vector<1024x2048xf32>
      %add3A_25 = arith.addf %get3A_20, %add3A_24 : vector<1024x2048xf32>
      %max3A = arith.constant 0.000000e+00 : f32
      %max3A_26 = vector.broadcast %max3A : f32 to vector<1024x2048xf32>
      %max3A_27 = arith.maximumf %add3A_25, %max3A_26 : vector<1024x2048xf32>
      %get3A_28 = arith.constant 0 : index
      %get3A_29 = arith.constant 0 : index
      %get3A_30 = vector.load %arg5[%get3A_28, %get3A_29] : memref<2048x1024xf32, #tpu.memory_space<vmem>>, vector<2048x1024xf32>
      %slice3A = vector.extract_strided_slice %max3A_27 {offsets = [0, 0], sizes = [1024, 256], strides = [1, 1]} : vector<1024x2048xf32> to vector<1024x256xf32>
      %slice3A_31 = vector.extract_strided_slice %get3A_30 {offsets = [0, 0], sizes = [256, 1024], strides = [1, 1]} : vector<2048x1024xf32> to vector<256x1024xf32>
      %dot_general3A_32 = arith.constant dense<0.000000e+00> : vector<1024x1024xf32>
      %dot_general3A_33 = tpu.matmul %slice3A, %slice3A_31, %dot_general3A_32 {dimension_numbers = #tpu.dot_dimension_numbers<[1], [0], [0], [1], [0, 0, 1, 1], [], []>, transpose_lhs_hint = false} : vector<1024x256xf32>, vector<256x1024xf32>, vector<1024x1024xf32> -> vector<1024x1024xf32>
      %slice3A_34 = vector.extract_strided_slice %max3A_27 {offsets = [0, 256], sizes = [1024, 256], strides = [1, 1]} : vector<1024x2048xf32> to vector<1024x256xf32>
      %slice3A_35 = vector.extract_strided_slice %get3A_30 {offsets = [256, 0], sizes = [256, 1024], strides = [1, 1]} : vector<2048x1024xf32> to vector<256x1024xf32>
      %dot_general3A_36 = arith.constant dense<0.000000e+00> : vector<1024x1024xf32>
      %dot_general3A_37 = tpu.matmul %slice3A_34, %slice3A_35, %dot_general3A_36 {dimension_numbers = #tpu.dot_dimension_numbers<[1], [0], [0], [1], [0, 0, 1, 1], [], []>, transpose_lhs_hint = false} : vector<1024x256xf32>, vector<256x1024xf32>, vector<1024x1024xf32> -> vector<1024x1024xf32>
      %add3A_38 = arith.addf %dot_general3A_33, %dot_general3A_37 : vector<1024x1024xf32>
      %slice3A_39 = vector.extract_strided_slice %max3A_27 {offsets = [0, 512], sizes = [1024, 256], strides = [1, 1]} : vector<1024x2048xf32> to vector<1024x256xf32>
      %slice3A_40 = vector.extract_strided_slice %get3A_30 {offsets = [512, 0], sizes = [256, 1024], strides = [1, 1]} : vector<2048x1024xf32> to vector<256x1024xf32>
      %dot_general3A_41 = arith.constant dense<0.000000e+00> : vector<1024x1024xf32>
      %dot_general3A_42 = tpu.matmul %slice3A_39, %slice3A_40, %dot_general3A_41 {dimension_numbers = #tpu.dot_dimension_numbers<[1], [0], [0], [1], [0, 0, 1, 1], [], []>, transpose_lhs_hint = false} : vector<1024x256xf32>, vector<256x1024xf32>, vector<1024x1024xf32> -> vector<1024x1024xf32>
      %add3A_43 = arith.addf %add3A_38, %dot_general3A_42 : vector<1024x1024xf32>
      %slice3A_44 = vector.extract_strided_slice %max3A_27 {offsets = [0, 768], sizes = [1024, 256], strides = [1, 1]} : vector<1024x2048xf32> to vector<1024x256xf32>
      %slice3A_45 = vector.extract_strided_slice %get3A_30 {offsets = [768, 0], sizes = [256, 1024], strides = [1, 1]} : vector<2048x1024xf32> to vector<256x1024xf32>
      %dot_general3A_46 = arith.constant dense<0.000000e+00> : vector<1024x1024xf32>
      %dot_general3A_47 = tpu.matmul %slice3A_44, %slice3A_45, %dot_general3A_46 {dimension_numbers = #tpu.dot_dimension_numbers<[1], [0], [0], [1], [0, 0, 1, 1], [], []>, transpose_lhs_hint = false} : vector<1024x256xf32>, vector<256x1024xf32>, vector<1024x1024xf32> -> vector<1024x1024xf32>
      %add3A_48 = arith.addf %add3A_43, %dot_general3A_47 : vector<1024x1024xf32>
      %slice3A_49 = vector.extract_strided_slice %max3A_27 {offsets = [0, 1024], sizes = [1024, 256], strides = [1, 1]} : vector<1024x2048xf32> to vector<1024x256xf32>
      %slice3A_50 = vector.extract_strided_slice %get3A_30 {offsets = [1024, 0], sizes = [256, 1024], strides = [1, 1]} : vector<2048x1024xf32> to vector<256x1024xf32>
      %dot_general3A_51 = arith.constant dense<0.000000e+00> : vector<1024x1024xf32>
      %dot_general3A_52 = tpu.matmul %slice3A_49, %slice3A_50, %dot_general3A_51 {dimension_numbers = #tpu.dot_dimension_numbers<[1], [0], [0], [1], [0, 0, 1, 1], [], []>, transpose_lhs_hint = false} : vector<1024x256xf32>, vector<256x1024xf32>, vector<1024x1024xf32> -> vector<1024x1024xf32>
      %add3A_53 = arith.addf %add3A_48, %dot_general3A_52 : vector<1024x1024xf32>
      %slice3A_54 = vector.extract_strided_slice %max3A_27 {offsets = [0, 1280], sizes = [1024, 256], strides = [1, 1]} : vector<1024x2048xf32> to vector<1024x256xf32>
      %slice3A_55 = vector.extract_strided_slice %get3A_30 {offsets = [1280, 0], sizes = [256, 1024], strides = [1, 1]} : vector<2048x1024xf32> to vector<256x1024xf32>
      %dot_general3A_56 = arith.constant dense<0.000000e+00> : vector<1024x1024xf32>
      %dot_general3A_57 = tpu.matmul %slice3A_54, %slice3A_55, %dot_general3A_56 {dimension_numbers = #tpu.dot_dimension_numbers<[1], [0], [0], [1], [0, 0, 1, 1], [], []>, transpose_lhs_hint = false} : vector<1024x256xf32>, vector<256x1024xf32>, vector<1024x1024xf32> -> vector<1024x1024xf32>
      %add3A_58 = arith.addf %add3A_53, %dot_general3A_57 : vector<1024x1024xf32>
      %slice3A_59 = vector.extract_strided_slice %max3A_27 {offsets = [0, 1536], sizes = [1024, 256], strides = [1, 1]} : vector<1024x2048xf32> to vector<1024x256xf32>
      %slice3A_60 = vector.extract_strided_slice %get3A_30 {offsets = [1536, 0], sizes = [256, 1024], strides = [1, 1]} : vector<2048x1024xf32> to vector<256x1024xf32>
      %dot_general3A_61 = arith.constant dense<0.000000e+00> : vector<1024x1024xf32>
      %dot_general3A_62 = tpu.matmul %slice3A_59, %slice3A_60, %dot_general3A_61 {dimension_numbers = #tpu.dot_dimension_numbers<[1], [0], [0], [1], [0, 0, 1, 1], [], []>, transpose_lhs_hint = false} : vector<1024x256xf32>, vector<256x1024xf32>, vector<1024x1024xf32> -> vector<1024x1024xf32>
      %add3A_63 = arith.addf %add3A_58, %dot_general3A_62 : vector<1024x1024xf32>
      %slice3A_64 = vector.extract_strided_slice %max3A_27 {offsets = [0, 1792], sizes = [1024, 256], strides = [1, 1]} : vector<1024x2048xf32> to vector<1024x256xf32>
      %slice3A_65 = vector.extract_strided_slice %get3A_30 {offsets = [1792, 0], sizes = [256, 1024], strides = [1, 1]} : vector<2048x1024xf32> to vector<256x1024xf32>
      %dot_general3A_66 = arith.constant dense<0.000000e+00> : vector<1024x1024xf32>
      %dot_general3A_67 = tpu.matmul %slice3A_64, %slice3A_65, %dot_general3A_66 {dimension_numbers = #tpu.dot_dimension_numbers<[1], [0], [0], [1], [0, 0, 1, 1], [], []>, transpose_lhs_hint = false} : vector<1024x256xf32>, vector<256x1024xf32>, vector<1024x1024xf32> -> vector<1024x1024xf32>
      %add3A_68 = arith.addf %add3A_63, %dot_general3A_67 : vector<1024x1024xf32>
      %get3A_69 = arith.constant 0 : index
      %get3A_70 = arith.constant 0 : index
      %get3A_71 = vector.load %arg6[%get3A_69, %get3A_70] : memref<1x1024xf32, #tpu.memory_space<vmem>>, vector<1x1024xf32>
      %add3A_72 = vector.broadcast %get3A_71 : vector<1x1024xf32> to vector<1024x1024xf32>
      %add3A_73 = arith.addf %add3A_68, %add3A_72 : vector<1024x1024xf32>
      %max3A_74 = arith.constant 0.000000e+00 : f32
      %max3A_75 = vector.broadcast %max3A_74 : f32 to vector<1024x1024xf32>
      %max3A_76 = arith.maximumf %add3A_73, %max3A_75 : vector<1024x1024xf32>
      %convert_element_type3A_77 = arith.truncf %max3A_76 : vector<1024x1024xf32> to vector<1024x1024xbf16>
      %convert_element_type3A_78 = arith.extf %convert_element_type3A_77 : vector<1024x1024xbf16> to vector<1024x1024xf32>
      %get3A_79 = arith.constant 0 : index
      %get3A_80 = arith.constant 0 : index
      %get3A_81 = vector.load %arg7[%get3A_79, %get3A_80] : memref<1024x1xf32, #tpu.memory_space<vmem>>, vector<1024x1xf32>
      %slice3A_82 = vector.extract_strided_slice %convert_element_type3A_78 {offsets = [0, 0], sizes = [1024, 256], strides = [1, 1]} : vector<1024x1024xf32> to vector<1024x256xf32>
      %slice3A_83 = vector.extract_strided_slice %get3A_81 {offsets = [0, 0], sizes = [256, 1], strides = [1, 1]} : vector<1024x1xf32> to vector<256x1xf32>
      %dot_general3A_84 = arith.constant dense<0.000000e+00> : vector<1024x1xf32>
      %dot_general3A_85 = tpu.matmul %slice3A_82, %slice3A_83, %dot_general3A_84 {dimension_numbers = #tpu.dot_dimension_numbers<[1], [0], [0], [1], [0, 0, 1, 1], [], []>, transpose_lhs_hint = false} : vector<1024x256xf32>, vector<256x1xf32>, vector<1024x1xf32> -> vector<1024x1xf32>
      %slice3A_86 = vector.extract_strided_slice %convert_element_type3A_78 {offsets = [0, 256], sizes = [1024, 256], strides = [1, 1]} : vector<1024x1024xf32> to vector<1024x256xf32>
      %slice3A_87 = vector.extract_strided_slice %get3A_81 {offsets = [256, 0], sizes = [256, 1], strides = [1, 1]} : vector<1024x1xf32> to vector<256x1xf32>
      %dot_general3A_88 = arith.constant dense<0.000000e+00> : vector<1024x1xf32>
      %dot_general3A_89 = tpu.matmul %slice3A_86, %slice3A_87, %dot_general3A_88 {dimension_numbers = #tpu.dot_dimension_numbers<[1], [0], [0], [1], [0, 0, 1, 1], [], []>, transpose_lhs_hint = false} : vector<1024x256xf32>, vector<256x1xf32>, vector<1024x1xf32> -> vector<1024x1xf32>
      %add3A_90 = arith.addf %dot_general3A_85, %dot_general3A_89 : vector<1024x1xf32>
      %slice3A_91 = vector.extract_strided_slice %convert_element_type3A_78 {offsets = [0, 512], sizes = [1024, 256], strides = [1, 1]} : vector<1024x1024xf32> to vector<1024x256xf32>
      %slice3A_92 = vector.extract_strided_slice %get3A_81 {offsets = [512, 0], sizes = [256, 1], strides = [1, 1]} : vector<1024x1xf32> to vector<256x1xf32>
      %dot_general3A_93 = arith.constant dense<0.000000e+00> : vector<1024x1xf32>
      %dot_general3A_94 = tpu.matmul %slice3A_91, %slice3A_92, %dot_general3A_93 {dimension_numbers = #tpu.dot_dimension_numbers<[1], [0], [0], [1], [0, 0, 1, 1], [], []>, transpose_lhs_hint = false} : vector<1024x256xf32>, vector<256x1xf32>, vector<1024x1xf32> -> vector<1024x1xf32>
      %add3A_95 = arith.addf %add3A_90, %dot_general3A_94 : vector<1024x1xf32>
      %slice3A_96 = vector.extract_strided_slice %convert_element_type3A_78 {offsets = [0, 768], sizes = [1024, 256], strides = [1, 1]} : vector<1024x1024xf32> to vector<1024x256xf32>
      %slice3A_97 = vector.extract_strided_slice %get3A_81 {offsets = [768, 0], sizes = [256, 1], strides = [1, 1]} : vector<1024x1xf32> to vector<256x1xf32>
      %dot_general3A_98 = arith.constant dense<0.000000e+00> : vector<1024x1xf32>
      %dot_general3A_99 = tpu.matmul %slice3A_96, %slice3A_97, %dot_general3A_98 {dimension_numbers = #tpu.dot_dimension_numbers<[1], [0], [0], [1], [0, 0, 1, 1], [], []>, transpose_lhs_hint = false} : vector<1024x256xf32>, vector<256x1xf32>, vector<1024x1xf32> -> vector<1024x1xf32>
      %add3A_100 = arith.addf %add3A_95, %dot_general3A_99 : vector<1024x1xf32>
      %get3A_101 = arith.constant 0 : index
      %get3A_102 = arith.constant 0 : index
      %get3A_103 = vector.load %arg8[%get3A_101, %get3A_102] : memref<1x1xf32, #tpu.memory_space<vmem>>, vector<1x1xf32>
      %add3A_104 = vector.broadcast %get3A_103 : vector<1x1xf32> to vector<1024x1xf32>
      %add3A_105 = arith.addf %add3A_100, %add3A_104 : vector<1024x1xf32>
      %logistic3A = arith.negf %add3A_105 : vector<1024x1xf32>
      %logistic3A_106 = math.exp %logistic3A : vector<1024x1xf32>
      %logistic3A_107 = arith.constant 1.000000e+00 : f32
      %logistic3A_108 = vector.broadcast %logistic3A_107 : f32 to vector<1024x1xf32>
      %logistic3A_109 = arith.addf %logistic3A_108, %logistic3A_106 : vector<1024x1xf32>
      %logistic3A_110 = arith.divf %logistic3A_108, %logistic3A_109 : vector<1024x1xf32>
      %reshape3A = vector.shape_cast %logistic3A_110 : vector<1024x1xf32> to vector<1x1x1024xf32>
      %swap3A_111 = arith.constant 0 : index
      %swap3A_112 = arith.constant 0 : index
      %swap3A_113 = arith.constant 0 : index
      %swap3A_114 = vector.load %arg9[%swap3A_111, %swap3A_112, %swap3A_113] : memref<1x1x1024xf32, #tpu.memory_space<vmem>>, vector<1x1x1024xf32>
      tpu.vector_store %arg9[%swap3A_111, %swap3A_112, %swap3A_113], %reshape3A {strides = array<i32>} : memref<1x1x1024xf32, #tpu.memory_space<vmem>>, vector<1x1x1024xf32>,
    } else {
    }
    return
  }
  func.func @transform_0(%arg0: i32, %arg1: i32) -> (i32, i32) {
    %c0_i32 = arith.constant 0 : i32
    return %arg0, %arg1 : i32, i32
  }
  func.func @transform_1(%arg0: i32, %arg1: i32) -> (i32, i32) {
    %c0_i32 = arith.constant 0 : i32
    %c0_i32_0 = arith.constant 0 : i32
    return %arg1, %c0_i32 : i32, i32
  }
  func.func @transform_2(%arg0: i32, %arg1: i32) -> (i32, i32) {
    %c0_i32 = arith.constant 0 : i32
    %c0_i32_0 = arith.constant 0 : i32
    %c0_i32_1 = arith.constant 0 : i32
    return %c0_i32, %c0_i32_0 : i32, i32
  }
  func.func @transform_3(%arg0: i32, %arg1: i32) -> (i32, i32) {
    %c0_i32 = arith.constant 0 : i32
    %c0_i32_0 = arith.constant 0 : i32
    %c0_i32_1 = arith.constant 0 : i32
    return %c0_i32, %c0_i32_0 : i32, i32
  }
  func.func @transform_4(%arg0: i32, %arg1: i32) -> (i32, i32) {
    %c0_i32 = arith.constant 0 : i32
    %c0_i32_0 = arith.constant 0 : i32
    %c0_i32_1 = arith.constant 0 : i32
    return %c0_i32, %c0_i32_0 : i32, i32
  }
  func.func @transform_5(%arg0: i32, %arg1: i32) -> (i32, i32) {
    %c0_i32 = arith.constant 0 : i32
    %c0_i32_0 = arith.constant 0 : i32
    %c0_i32_1 = arith.constant 0 : i32
    return %c0_i32, %c0_i32_0 : i32, i32
  }
  func.func @transform_6(%arg0: i32, %arg1: i32) -> (i32, i32) {
    %c0_i32 = arith.constant 0 : i32
    %c0_i32_0 = arith.constant 0 : i32
    %c0_i32_1 = arith.constant 0 : i32
    return %c0_i32, %c0_i32_0 : i32, i32
  }
  func.func @transform_7(%arg0: i32, %arg1: i32) -> (i32, i32, i32) {
    %c0_i32 = arith.constant 0 : i32
    %c0_i32_0 = arith.constant 0 : i32
    %c0_i32_1 = arith.constant 0 : i32
    return %arg0, %c0_i32, %c0_i32_0 : i32, i32, i32
  }
}

module attributes {stable_mosaic.version = 14 : i64} {
  func.func @_rank_body(%arg0: i32, %arg1: memref<1x1x4096xf32, #tpu.memory_space<vmem>>, %arg2: memref<1x1x4096xi32, #tpu.memory_space<vmem>>) attributes {dimension_semantics = [#tpu.dimension_semantics<arbitrary>], iteration_bounds = array<i64: 4>, scalar_prefetch = 0 : i64, scratch_operands = 0 : i64, tpu.core_type = #tpu.core_type<tc>, window_params = [{transform_indices = @transform_0, window_bounds = array<i64: 1, 1, 4096>}, {transform_indices = @transform_1, window_bounds = array<i64: 1, 1, 4096>}]} {
    %get3A = arith.constant 0 : index
    %get3A_0 = arith.constant 0 : index
    %get3A_1 = arith.constant 0 : index
    %get3A_2 = vector.load %arg1[%get3A, %get3A_0, %get3A_1] : memref<1x1x4096xf32, #tpu.memory_space<vmem>>, vector<1x1x4096xf32>
    %get3A_3 = vector.shape_cast %get3A_2 : vector<1x1x4096xf32> to vector<1x4096xf32>
    %iota3A = tpu.iota {dimensions = array<i32: 1>} : vector<512x4096xi32>
    %get3A_4 = arith.constant 0 : index
    %get3A_5 = arith.constant 0 : index
    %get3A_6 = arith.constant 0 : index
    %get3A_7 = vector.load %arg1[%get3A_4, %get3A_5, %get3A_6] : memref<1x1x4096xf32, #tpu.memory_space<vmem>>, vector<1x1x512xf32>
    %get3A_8 = vector.shape_cast %get3A_7 : vector<1x1x512xf32> to vector<1x512xf32>
    %reshape3A = vector.shape_cast %get3A_8 : vector<1x512xf32> to vector<512x1xf32>
    %iota3A_9 = tpu.iota {dimensions = array<i32: 0>} : vector<512x4096xi32>
    %add3A = arith.constant 0 : i32
    %add3A_10 = vector.broadcast %add3A : i32 to vector<512x4096xi32>
    %add3A_11 = arith.addi %add3A_10, %iota3A_9 : vector<512x4096xi32>
    %gt3A = vector.broadcast %get3A_3 : vector<1x4096xf32> to vector<512x4096xf32>
    %gt3A_12 = vector.broadcast %reshape3A : vector<512x1xf32> to vector<512x4096xf32>
    %gt3A_13 = arith.cmpf ogt, %gt3A, %gt3A_12 : vector<512x4096xf32>
    %convert_element_type3A = arith.extui %gt3A_13 : vector<512x4096xi1> to vector<512x4096xi32>
    %eq3A = vector.broadcast %get3A_3 : vector<1x4096xf32> to vector<512x4096xf32>
    %eq3A_14 = vector.broadcast %reshape3A : vector<512x1xf32> to vector<512x4096xf32>
    %eq3A_15 = arith.cmpf oeq, %eq3A, %eq3A_14 : vector<512x4096xf32>
    %lt3A = arith.cmpi slt, %iota3A, %add3A_11 : vector<512x4096xi32>
    %and3A = arith.andi %eq3A_15, %lt3A : vector<512x4096xi1>
    %convert_element_type3A_16 = arith.extui %and3A : vector<512x4096xi1> to vector<512x4096xi32>
    %add3A_17 = arith.addi %convert_element_type3A, %convert_element_type3A_16 : vector<512x4096xi32>
    %reduce_sum3A = arith.constant dense<0> : vector<512xi32>
    %reduce_sum3A_18 = vector.multi_reduction <add>, %add3A_17, %reduce_sum3A [1] : vector<512x4096xi32> to vector<512xi32>
    %mul3A = arith.constant 4096 : i32
    %mul3A_19 = arith.muli %arg0, %mul3A : i32
    %add3A_20 = vector.broadcast %mul3A_19 : i32 to vector<512xi32>
    %add3A_21 = arith.addi %reduce_sum3A_18, %add3A_20 : vector<512xi32>
    %swap3A = arith.constant 0 : index
    %swap3A_22 = arith.constant 0 : index
    %swap3A_23 = arith.constant 0 : index
    %swap3A_24 = vector.load %arg2[%swap3A, %swap3A_22, %swap3A_23] : memref<1x1x4096xi32, #tpu.memory_space<vmem>>, vector<1x1x512xi32>
    %swap3A_25 = vector.shape_cast %swap3A_24 : vector<1x1x512xi32> to vector<512xi32>
    %swap3A_26 = vector.shape_cast %add3A_21 : vector<512xi32> to vector<1x1x512xi32>
    tpu.vector_store %arg2[%swap3A, %swap3A_22, %swap3A_23], %swap3A_26 {strides = array<i32>} : memref<1x1x4096xi32, #tpu.memory_space<vmem>>, vector<1x1x512xi32>,
    %get3A_27 = arith.constant 0 : index
    %get3A_28 = arith.constant 0 : index
    %get3A_29 = arith.constant 512 : index
    %get3A_30 = vector.load %arg1[%get3A_27, %get3A_28, %get3A_29] : memref<1x1x4096xf32, #tpu.memory_space<vmem>>, vector<1x1x512xf32>
    %get3A_31 = vector.shape_cast %get3A_30 : vector<1x1x512xf32> to vector<1x512xf32>
    %reshape3A_32 = vector.shape_cast %get3A_31 : vector<1x512xf32> to vector<512x1xf32>
    %iota3A_33 = tpu.iota {dimensions = array<i32: 0>} : vector<512x4096xi32>
    %add3A_34 = arith.constant 512 : i32
    %add3A_35 = vector.broadcast %add3A_34 : i32 to vector<512x4096xi32>
    %add3A_36 = arith.addi %add3A_35, %iota3A_33 : vector<512x4096xi32>
    %gt3A_37 = vector.broadcast %get3A_3 : vector<1x4096xf32> to vector<512x4096xf32>
    %gt3A_38 = vector.broadcast %reshape3A_32 : vector<512x1xf32> to vector<512x4096xf32>
    %gt3A_39 = arith.cmpf ogt, %gt3A_37, %gt3A_38 : vector<512x4096xf32>
    %convert_element_type3A_40 = arith.extui %gt3A_39 : vector<512x4096xi1> to vector<512x4096xi32>
    %eq3A_41 = vector.broadcast %get3A_3 : vector<1x4096xf32> to vector<512x4096xf32>
    %eq3A_42 = vector.broadcast %reshape3A_32 : vector<512x1xf32> to vector<512x4096xf32>
    %eq3A_43 = arith.cmpf oeq, %eq3A_41, %eq3A_42 : vector<512x4096xf32>
    %lt3A_44 = arith.cmpi slt, %iota3A, %add3A_36 : vector<512x4096xi32>
    %and3A_45 = arith.andi %eq3A_43, %lt3A_44 : vector<512x4096xi1>
    %convert_element_type3A_46 = arith.extui %and3A_45 : vector<512x4096xi1> to vector<512x4096xi32>
    %add3A_47 = arith.addi %convert_element_type3A_40, %convert_element_type3A_46 : vector<512x4096xi32>
    %reduce_sum3A_48 = arith.constant dense<0> : vector<512xi32>
    %reduce_sum3A_49 = vector.multi_reduction <add>, %add3A_47, %reduce_sum3A_48 [1] : vector<512x4096xi32> to vector<512xi32>
    %mul3A_50 = arith.constant 4096 : i32
    %mul3A_51 = arith.muli %arg0, %mul3A_50 : i32
    %add3A_52 = vector.broadcast %mul3A_51 : i32 to vector<512xi32>
    %add3A_53 = arith.addi %reduce_sum3A_49, %add3A_52 : vector<512xi32>
    %swap3A_54 = arith.constant 0 : index
    %swap3A_55 = arith.constant 0 : index
    %swap3A_56 = arith.constant 512 : index
    %swap3A_57 = vector.load %arg2[%swap3A_54, %swap3A_55, %swap3A_56] : memref<1x1x4096xi32, #tpu.memory_space<vmem>>, vector<1x1x512xi32>
    %swap3A_58 = vector.shape_cast %swap3A_57 : vector<1x1x512xi32> to vector<512xi32>
    %swap3A_59 = vector.shape_cast %add3A_53 : vector<512xi32> to vector<1x1x512xi32>
    tpu.vector_store %arg2[%swap3A_54, %swap3A_55, %swap3A_56], %swap3A_59 {strides = array<i32>} : memref<1x1x4096xi32, #tpu.memory_space<vmem>>, vector<1x1x512xi32>,
    %get3A_60 = arith.constant 0 : index
    %get3A_61 = arith.constant 0 : index
    %get3A_62 = arith.constant 1024 : index
    %get3A_63 = vector.load %arg1[%get3A_60, %get3A_61, %get3A_62] : memref<1x1x4096xf32, #tpu.memory_space<vmem>>, vector<1x1x512xf32>
    %get3A_64 = vector.shape_cast %get3A_63 : vector<1x1x512xf32> to vector<1x512xf32>
    %reshape3A_65 = vector.shape_cast %get3A_64 : vector<1x512xf32> to vector<512x1xf32>
    %iota3A_66 = tpu.iota {dimensions = array<i32: 0>} : vector<512x4096xi32>
    %add3A_67 = arith.constant 1024 : i32
    %add3A_68 = vector.broadcast %add3A_67 : i32 to vector<512x4096xi32>
    %add3A_69 = arith.addi %add3A_68, %iota3A_66 : vector<512x4096xi32>
    %gt3A_70 = vector.broadcast %get3A_3 : vector<1x4096xf32> to vector<512x4096xf32>
    %gt3A_71 = vector.broadcast %reshape3A_65 : vector<512x1xf32> to vector<512x4096xf32>
    %gt3A_72 = arith.cmpf ogt, %gt3A_70, %gt3A_71 : vector<512x4096xf32>
    %convert_element_type3A_73 = arith.extui %gt3A_72 : vector<512x4096xi1> to vector<512x4096xi32>
    %eq3A_74 = vector.broadcast %get3A_3 : vector<1x4096xf32> to vector<512x4096xf32>
    %eq3A_75 = vector.broadcast %reshape3A_65 : vector<512x1xf32> to vector<512x4096xf32>
    %eq3A_76 = arith.cmpf oeq, %eq3A_74, %eq3A_75 : vector<512x4096xf32>
    %lt3A_77 = arith.cmpi slt, %iota3A, %add3A_69 : vector<512x4096xi32>
    %and3A_78 = arith.andi %eq3A_76, %lt3A_77 : vector<512x4096xi1>
    %convert_element_type3A_79 = arith.extui %and3A_78 : vector<512x4096xi1> to vector<512x4096xi32>
    %add3A_80 = arith.addi %convert_element_type3A_73, %convert_element_type3A_79 : vector<512x4096xi32>
    %reduce_sum3A_81 = arith.constant dense<0> : vector<512xi32>
    %reduce_sum3A_82 = vector.multi_reduction <add>, %add3A_80, %reduce_sum3A_81 [1] : vector<512x4096xi32> to vector<512xi32>
    %mul3A_83 = arith.constant 4096 : i32
    %mul3A_84 = arith.muli %arg0, %mul3A_83 : i32
    %add3A_85 = vector.broadcast %mul3A_84 : i32 to vector<512xi32>
    %add3A_86 = arith.addi %reduce_sum3A_82, %add3A_85 : vector<512xi32>
    %swap3A_87 = arith.constant 0 : index
    %swap3A_88 = arith.constant 0 : index
    %swap3A_89 = arith.constant 1024 : index
    %swap3A_90 = vector.load %arg2[%swap3A_87, %swap3A_88, %swap3A_89] : memref<1x1x4096xi32, #tpu.memory_space<vmem>>, vector<1x1x512xi32>
    %swap3A_91 = vector.shape_cast %swap3A_90 : vector<1x1x512xi32> to vector<512xi32>
    %swap3A_92 = vector.shape_cast %add3A_86 : vector<512xi32> to vector<1x1x512xi32>
    tpu.vector_store %arg2[%swap3A_87, %swap3A_88, %swap3A_89], %swap3A_92 {strides = array<i32>} : memref<1x1x4096xi32, #tpu.memory_space<vmem>>, vector<1x1x512xi32>,
    %get3A_93 = arith.constant 0 : index
    %get3A_94 = arith.constant 0 : index
    %get3A_95 = arith.constant 1536 : index
    %get3A_96 = vector.load %arg1[%get3A_93, %get3A_94, %get3A_95] : memref<1x1x4096xf32, #tpu.memory_space<vmem>>, vector<1x1x512xf32>
    %get3A_97 = vector.shape_cast %get3A_96 : vector<1x1x512xf32> to vector<1x512xf32>
    %reshape3A_98 = vector.shape_cast %get3A_97 : vector<1x512xf32> to vector<512x1xf32>
    %iota3A_99 = tpu.iota {dimensions = array<i32: 0>} : vector<512x4096xi32>
    %add3A_100 = arith.constant 1536 : i32
    %add3A_101 = vector.broadcast %add3A_100 : i32 to vector<512x4096xi32>
    %add3A_102 = arith.addi %add3A_101, %iota3A_99 : vector<512x4096xi32>
    %gt3A_103 = vector.broadcast %get3A_3 : vector<1x4096xf32> to vector<512x4096xf32>
    %gt3A_104 = vector.broadcast %reshape3A_98 : vector<512x1xf32> to vector<512x4096xf32>
    %gt3A_105 = arith.cmpf ogt, %gt3A_103, %gt3A_104 : vector<512x4096xf32>
    %convert_element_type3A_106 = arith.extui %gt3A_105 : vector<512x4096xi1> to vector<512x4096xi32>
    %eq3A_107 = vector.broadcast %get3A_3 : vector<1x4096xf32> to vector<512x4096xf32>
    %eq3A_108 = vector.broadcast %reshape3A_98 : vector<512x1xf32> to vector<512x4096xf32>
    %eq3A_109 = arith.cmpf oeq, %eq3A_107, %eq3A_108 : vector<512x4096xf32>
    %lt3A_110 = arith.cmpi slt, %iota3A, %add3A_102 : vector<512x4096xi32>
    %and3A_111 = arith.andi %eq3A_109, %lt3A_110 : vector<512x4096xi1>
    %convert_element_type3A_112 = arith.extui %and3A_111 : vector<512x4096xi1> to vector<512x4096xi32>
    %add3A_113 = arith.addi %convert_element_type3A_106, %convert_element_type3A_112 : vector<512x4096xi32>
    %reduce_sum3A_114 = arith.constant dense<0> : vector<512xi32>
    %reduce_sum3A_115 = vector.multi_reduction <add>, %add3A_113, %reduce_sum3A_114 [1] : vector<512x4096xi32> to vector<512xi32>
    %mul3A_116 = arith.constant 4096 : i32
    %mul3A_117 = arith.muli %arg0, %mul3A_116 : i32
    %add3A_118 = vector.broadcast %mul3A_117 : i32 to vector<512xi32>
    %add3A_119 = arith.addi %reduce_sum3A_115, %add3A_118 : vector<512xi32>
    %swap3A_120 = arith.constant 0 : index
    %swap3A_121 = arith.constant 0 : index
    %swap3A_122 = arith.constant 1536 : index
    %swap3A_123 = vector.load %arg2[%swap3A_120, %swap3A_121, %swap3A_122] : memref<1x1x4096xi32, #tpu.memory_space<vmem>>, vector<1x1x512xi32>
    %swap3A_124 = vector.shape_cast %swap3A_123 : vector<1x1x512xi32> to vector<512xi32>
    %swap3A_125 = vector.shape_cast %add3A_119 : vector<512xi32> to vector<1x1x512xi32>
    tpu.vector_store %arg2[%swap3A_120, %swap3A_121, %swap3A_122], %swap3A_125 {strides = array<i32>} : memref<1x1x4096xi32, #tpu.memory_space<vmem>>, vector<1x1x512xi32>,
    %get3A_126 = arith.constant 0 : index
    %get3A_127 = arith.constant 0 : index
    %get3A_128 = arith.constant 2048 : index
    %get3A_129 = vector.load %arg1[%get3A_126, %get3A_127, %get3A_128] : memref<1x1x4096xf32, #tpu.memory_space<vmem>>, vector<1x1x512xf32>
    %get3A_130 = vector.shape_cast %get3A_129 : vector<1x1x512xf32> to vector<1x512xf32>
    %reshape3A_131 = vector.shape_cast %get3A_130 : vector<1x512xf32> to vector<512x1xf32>
    %iota3A_132 = tpu.iota {dimensions = array<i32: 0>} : vector<512x4096xi32>
    %add3A_133 = arith.constant 2048 : i32
    %add3A_134 = vector.broadcast %add3A_133 : i32 to vector<512x4096xi32>
    %add3A_135 = arith.addi %add3A_134, %iota3A_132 : vector<512x4096xi32>
    %gt3A_136 = vector.broadcast %get3A_3 : vector<1x4096xf32> to vector<512x4096xf32>
    %gt3A_137 = vector.broadcast %reshape3A_131 : vector<512x1xf32> to vector<512x4096xf32>
    %gt3A_138 = arith.cmpf ogt, %gt3A_136, %gt3A_137 : vector<512x4096xf32>
    %convert_element_type3A_139 = arith.extui %gt3A_138 : vector<512x4096xi1> to vector<512x4096xi32>
    %eq3A_140 = vector.broadcast %get3A_3 : vector<1x4096xf32> to vector<512x4096xf32>
    %eq3A_141 = vector.broadcast %reshape3A_131 : vector<512x1xf32> to vector<512x4096xf32>
    %eq3A_142 = arith.cmpf oeq, %eq3A_140, %eq3A_141 : vector<512x4096xf32>
    %lt3A_143 = arith.cmpi slt, %iota3A, %add3A_135 : vector<512x4096xi32>
    %and3A_144 = arith.andi %eq3A_142, %lt3A_143 : vector<512x4096xi1>
    %convert_element_type3A_145 = arith.extui %and3A_144 : vector<512x4096xi1> to vector<512x4096xi32>
    %add3A_146 = arith.addi %convert_element_type3A_139, %convert_element_type3A_145 : vector<512x4096xi32>
    %reduce_sum3A_147 = arith.constant dense<0> : vector<512xi32>
    %reduce_sum3A_148 = vector.multi_reduction <add>, %add3A_146, %reduce_sum3A_147 [1] : vector<512x4096xi32> to vector<512xi32>
    %mul3A_149 = arith.constant 4096 : i32
    %mul3A_150 = arith.muli %arg0, %mul3A_149 : i32
    %add3A_151 = vector.broadcast %mul3A_150 : i32 to vector<512xi32>
    %add3A_152 = arith.addi %reduce_sum3A_148, %add3A_151 : vector<512xi32>
    %swap3A_153 = arith.constant 0 : index
    %swap3A_154 = arith.constant 0 : index
    %swap3A_155 = arith.constant 2048 : index
    %swap3A_156 = vector.load %arg2[%swap3A_153, %swap3A_154, %swap3A_155] : memref<1x1x4096xi32, #tpu.memory_space<vmem>>, vector<1x1x512xi32>
    %swap3A_157 = vector.shape_cast %swap3A_156 : vector<1x1x512xi32> to vector<512xi32>
    %swap3A_158 = vector.shape_cast %add3A_152 : vector<512xi32> to vector<1x1x512xi32>
    tpu.vector_store %arg2[%swap3A_153, %swap3A_154, %swap3A_155], %swap3A_158 {strides = array<i32>} : memref<1x1x4096xi32, #tpu.memory_space<vmem>>, vector<1x1x512xi32>,
    %get3A_159 = arith.constant 0 : index
    %get3A_160 = arith.constant 0 : index
    %get3A_161 = arith.constant 2560 : index
    %get3A_162 = vector.load %arg1[%get3A_159, %get3A_160, %get3A_161] : memref<1x1x4096xf32, #tpu.memory_space<vmem>>, vector<1x1x512xf32>
    %get3A_163 = vector.shape_cast %get3A_162 : vector<1x1x512xf32> to vector<1x512xf32>
    %reshape3A_164 = vector.shape_cast %get3A_163 : vector<1x512xf32> to vector<512x1xf32>
    %iota3A_165 = tpu.iota {dimensions = array<i32: 0>} : vector<512x4096xi32>
    %add3A_166 = arith.constant 2560 : i32
    %add3A_167 = vector.broadcast %add3A_166 : i32 to vector<512x4096xi32>
    %add3A_168 = arith.addi %add3A_167, %iota3A_165 : vector<512x4096xi32>
    %gt3A_169 = vector.broadcast %get3A_3 : vector<1x4096xf32> to vector<512x4096xf32>
    %gt3A_170 = vector.broadcast %reshape3A_164 : vector<512x1xf32> to vector<512x4096xf32>
    %gt3A_171 = arith.cmpf ogt, %gt3A_169, %gt3A_170 : vector<512x4096xf32>
    %convert_element_type3A_172 = arith.extui %gt3A_171 : vector<512x4096xi1> to vector<512x4096xi32>
    %eq3A_173 = vector.broadcast %get3A_3 : vector<1x4096xf32> to vector<512x4096xf32>
    %eq3A_174 = vector.broadcast %reshape3A_164 : vector<512x1xf32> to vector<512x4096xf32>
    %eq3A_175 = arith.cmpf oeq, %eq3A_173, %eq3A_174 : vector<512x4096xf32>
    %lt3A_176 = arith.cmpi slt, %iota3A, %add3A_168 : vector<512x4096xi32>
    %and3A_177 = arith.andi %eq3A_175, %lt3A_176 : vector<512x4096xi1>
    %convert_element_type3A_178 = arith.extui %and3A_177 : vector<512x4096xi1> to vector<512x4096xi32>
    %add3A_179 = arith.addi %convert_element_type3A_172, %convert_element_type3A_178 : vector<512x4096xi32>
    %reduce_sum3A_180 = arith.constant dense<0> : vector<512xi32>
    %reduce_sum3A_181 = vector.multi_reduction <add>, %add3A_179, %reduce_sum3A_180 [1] : vector<512x4096xi32> to vector<512xi32>
    %mul3A_182 = arith.constant 4096 : i32
    %mul3A_183 = arith.muli %arg0, %mul3A_182 : i32
    %add3A_184 = vector.broadcast %mul3A_183 : i32 to vector<512xi32>
    %add3A_185 = arith.addi %reduce_sum3A_181, %add3A_184 : vector<512xi32>
    %swap3A_186 = arith.constant 0 : index
    %swap3A_187 = arith.constant 0 : index
    %swap3A_188 = arith.constant 2560 : index
    %swap3A_189 = vector.load %arg2[%swap3A_186, %swap3A_187, %swap3A_188] : memref<1x1x4096xi32, #tpu.memory_space<vmem>>, vector<1x1x512xi32>
    %swap3A_190 = vector.shape_cast %swap3A_189 : vector<1x1x512xi32> to vector<512xi32>
    %swap3A_191 = vector.shape_cast %add3A_185 : vector<512xi32> to vector<1x1x512xi32>
    tpu.vector_store %arg2[%swap3A_186, %swap3A_187, %swap3A_188], %swap3A_191 {strides = array<i32>} : memref<1x1x4096xi32, #tpu.memory_space<vmem>>, vector<1x1x512xi32>,
    %get3A_192 = arith.constant 0 : index
    %get3A_193 = arith.constant 0 : index
    %get3A_194 = arith.constant 3072 : index
    %get3A_195 = vector.load %arg1[%get3A_192, %get3A_193, %get3A_194] : memref<1x1x4096xf32, #tpu.memory_space<vmem>>, vector<1x1x512xf32>
    %get3A_196 = vector.shape_cast %get3A_195 : vector<1x1x512xf32> to vector<1x512xf32>
    %reshape3A_197 = vector.shape_cast %get3A_196 : vector<1x512xf32> to vector<512x1xf32>
    %iota3A_198 = tpu.iota {dimensions = array<i32: 0>} : vector<512x4096xi32>
    %add3A_199 = arith.constant 3072 : i32
    %add3A_200 = vector.broadcast %add3A_199 : i32 to vector<512x4096xi32>
    %add3A_201 = arith.addi %add3A_200, %iota3A_198 : vector<512x4096xi32>
    %gt3A_202 = vector.broadcast %get3A_3 : vector<1x4096xf32> to vector<512x4096xf32>
    %gt3A_203 = vector.broadcast %reshape3A_197 : vector<512x1xf32> to vector<512x4096xf32>
    %gt3A_204 = arith.cmpf ogt, %gt3A_202, %gt3A_203 : vector<512x4096xf32>
    %convert_element_type3A_205 = arith.extui %gt3A_204 : vector<512x4096xi1> to vector<512x4096xi32>
    %eq3A_206 = vector.broadcast %get3A_3 : vector<1x4096xf32> to vector<512x4096xf32>
    %eq3A_207 = vector.broadcast %reshape3A_197 : vector<512x1xf32> to vector<512x4096xf32>
    %eq3A_208 = arith.cmpf oeq, %eq3A_206, %eq3A_207 : vector<512x4096xf32>
    %lt3A_209 = arith.cmpi slt, %iota3A, %add3A_201 : vector<512x4096xi32>
    %and3A_210 = arith.andi %eq3A_208, %lt3A_209 : vector<512x4096xi1>
    %convert_element_type3A_211 = arith.extui %and3A_210 : vector<512x4096xi1> to vector<512x4096xi32>
    %add3A_212 = arith.addi %convert_element_type3A_205, %convert_element_type3A_211 : vector<512x4096xi32>
    %reduce_sum3A_213 = arith.constant dense<0> : vector<512xi32>
    %reduce_sum3A_214 = vector.multi_reduction <add>, %add3A_212, %reduce_sum3A_213 [1] : vector<512x4096xi32> to vector<512xi32>
    %mul3A_215 = arith.constant 4096 : i32
    %mul3A_216 = arith.muli %arg0, %mul3A_215 : i32
    %add3A_217 = vector.broadcast %mul3A_216 : i32 to vector<512xi32>
    %add3A_218 = arith.addi %reduce_sum3A_214, %add3A_217 : vector<512xi32>
    %swap3A_219 = arith.constant 0 : index
    %swap3A_220 = arith.constant 0 : index
    %swap3A_221 = arith.constant 3072 : index
    %swap3A_222 = vector.load %arg2[%swap3A_219, %swap3A_220, %swap3A_221] : memref<1x1x4096xi32, #tpu.memory_space<vmem>>, vector<1x1x512xi32>
    %swap3A_223 = vector.shape_cast %swap3A_222 : vector<1x1x512xi32> to vector<512xi32>
    %swap3A_224 = vector.shape_cast %add3A_218 : vector<512xi32> to vector<1x1x512xi32>
    tpu.vector_store %arg2[%swap3A_219, %swap3A_220, %swap3A_221], %swap3A_224 {strides = array<i32>} : memref<1x1x4096xi32, #tpu.memory_space<vmem>>, vector<1x1x512xi32>,
    %get3A_225 = arith.constant 0 : index
    %get3A_226 = arith.constant 0 : index
    %get3A_227 = arith.constant 3584 : index
    %get3A_228 = vector.load %arg1[%get3A_225, %get3A_226, %get3A_227] : memref<1x1x4096xf32, #tpu.memory_space<vmem>>, vector<1x1x512xf32>
    %get3A_229 = vector.shape_cast %get3A_228 : vector<1x1x512xf32> to vector<1x512xf32>
    %reshape3A_230 = vector.shape_cast %get3A_229 : vector<1x512xf32> to vector<512x1xf32>
    %iota3A_231 = tpu.iota {dimensions = array<i32: 0>} : vector<512x4096xi32>
    %add3A_232 = arith.constant 3584 : i32
    %add3A_233 = vector.broadcast %add3A_232 : i32 to vector<512x4096xi32>
    %add3A_234 = arith.addi %add3A_233, %iota3A_231 : vector<512x4096xi32>
    %gt3A_235 = vector.broadcast %get3A_3 : vector<1x4096xf32> to vector<512x4096xf32>
    %gt3A_236 = vector.broadcast %reshape3A_230 : vector<512x1xf32> to vector<512x4096xf32>
    %gt3A_237 = arith.cmpf ogt, %gt3A_235, %gt3A_236 : vector<512x4096xf32>
    %convert_element_type3A_238 = arith.extui %gt3A_237 : vector<512x4096xi1> to vector<512x4096xi32>
    %eq3A_239 = vector.broadcast %get3A_3 : vector<1x4096xf32> to vector<512x4096xf32>
    %eq3A_240 = vector.broadcast %reshape3A_230 : vector<512x1xf32> to vector<512x4096xf32>
    %eq3A_241 = arith.cmpf oeq, %eq3A_239, %eq3A_240 : vector<512x4096xf32>
    %lt3A_242 = arith.cmpi slt, %iota3A, %add3A_234 : vector<512x4096xi32>
    %and3A_243 = arith.andi %eq3A_241, %lt3A_242 : vector<512x4096xi1>
    %convert_element_type3A_244 = arith.extui %and3A_243 : vector<512x4096xi1> to vector<512x4096xi32>
    %add3A_245 = arith.addi %convert_element_type3A_238, %convert_element_type3A_244 : vector<512x4096xi32>
    %reduce_sum3A_246 = arith.constant dense<0> : vector<512xi32>
    %reduce_sum3A_247 = vector.multi_reduction <add>, %add3A_245, %reduce_sum3A_246 [1] : vector<512x4096xi32> to vector<512xi32>
    %mul3A_248 = arith.constant 4096 : i32
    %mul3A_249 = arith.muli %arg0, %mul3A_248 : i32
    %add3A_250 = vector.broadcast %mul3A_249 : i32 to vector<512xi32>
    %add3A_251 = arith.addi %reduce_sum3A_247, %add3A_250 : vector<512xi32>
    %swap3A_252 = arith.constant 0 : index
    %swap3A_253 = arith.constant 0 : index
    %swap3A_254 = arith.constant 3584 : index
    %swap3A_255 = vector.load %arg2[%swap3A_252, %swap3A_253, %swap3A_254] : memref<1x1x4096xi32, #tpu.memory_space<vmem>>, vector<1x1x512xi32>
    %swap3A_256 = vector.shape_cast %swap3A_255 : vector<1x1x512xi32> to vector<512xi32>
    %swap3A_257 = vector.shape_cast %add3A_251 : vector<512xi32> to vector<1x1x512xi32>
    tpu.vector_store %arg2[%swap3A_252, %swap3A_253, %swap3A_254], %swap3A_257 {strides = array<i32>} : memref<1x1x4096xi32, #tpu.memory_space<vmem>>, vector<1x1x512xi32>,
    return
  }
  func.func @transform_0(%arg0: i32) -> (i32, i32, i32) {
    %c0_i32 = arith.constant 0 : i32
    %c0_i32_0 = arith.constant 0 : i32
    %c0_i32_1 = arith.constant 0 : i32
    return %arg0, %c0_i32, %c0_i32_0 : i32, i32, i32
  }
  func.func @transform_1(%arg0: i32) -> (i32, i32, i32) {
    %c0_i32 = arith.constant 0 : i32
    %c0_i32_0 = arith.constant 0 : i32
    %c0_i32_1 = arith.constant 0 : i32
    return %arg0, %c0_i32, %c0_i32_0 : i32, i32, i32
  }
}

</mosaic_0001>

<sc_bundles>
// kernel: kernel.5.cloned.1.call-start
scs
__scs_entry_jumppad:
0x0: {  	(pc) =	sbr.rel $0x88, $3  }
0x1: {  	(tag) =	ssettag $0x0;
	lr =	simm.s32 $0x1  }
0x2: {  	[smem:$0x3F99] =	sst lr;
	_ =	strace $0xD0000000  }
0x3: {  	_ = 	snop  }
0x4: {  	_ = 	snop  }
0x5: {  	_ = 	snop  }
0x6: {  	_ = 	snop  }
0x7: {  	_ = 	snop  }
__scs_overlays_trampoline_lowered:
0x8: {  	[smem:$0x3FA8] =	sst s0  }
0x9: {  	[smem:$0x3FA9] =	sst s1  }
0xa: {  	[smem:$0x3FAA] =	sst s2  }
0xb: {  	[smem:$0x3FAB] =	sst s3  }
0xc: {  	[smem:$0x3FAC] =	sst s4  }
0xd: {  	[smem:$0x3FAD] =	sst s5  }
0xe: {  	[smem:$0x3FAE] =	sst s6  }
0xf: {  	[smem:$0x3FAF] =	sst s7  }
0x10: {  	[smem:$0x3FB0] =	sst s8  }
0x11: {  	[smem:$0x3FB1] =	sst s9;
	s0 =	simm.s32 @!p0 $0x0  }
0x12: {  	s1 =	sld [smem:$0x3F97];
	s0 =	simm.s32 @p0 $0x1  }
0x13: {  	[smem:$0x3FB2] =	sst s0;
	s0 =	simm.s32 @!p1 $0x0  }
0x14: {  	s2 =	sld [smem:$0x3F96];
	s0 =	simm.s32 @p1 $0x1  }
0x15: {  	[smem:$0x3FB3] =	sst s0;
	s0 =	simm.s32 @!p2 $0x0  }
0x16: {  	s3 =	sld [smem:$0x3FDB];
	s0 =	simm.s32 @p2 $0x1  }
0x17: {  	s4 =	simm.s32 $0x1BF5;
	[smem:$0x3FB5] =	sst s0  }
0x18: {  	s0 =	sld [smem:$0x3F98];
	_ =	swait.ge [sflag:s4], $0x0  }
0x19: {  	s7 =	sld [smem:$0x3F99]  }
0x1a: {  	s8 =	sadd.s32 $0xFFFFE003, lr  }
0x1b: {  	s9 =	sadd.s32 $0xFFFFFEF7, lr;
	s5 =	simm.s32 $0xFFFFFFFF;
	p2 =	slt.u32 s8, $0xFFFFF086  }
0x1c: {  	p1 =	slt.u32 s9, $0xF7A;
	s5 =	simm.s32 @!p2 $0x0  }
0x1d: {  	s5 =	simm.s32 @p1 $0x1;
	p0 =	seq.s32 s7, s2  }
0x1e: {  	s7 =	smul.u32 @!p0 $0xF7A, s2;
	p2 =	seq.s32 @!p0 s5, $0x0  }
0x1f: {  	s9 =	smul.u32 $0xF7A, s1;
	s8 =	simm.s32 @!p0 $0x1BF5;
	p2 =	por !p2, p0  }
0x20: {  	[sflag:s8] =	ssyncset.s32 @!p0 $0xFFFFF086;
	s6 =	sadd.s32 @!p0 s3, s7;
	s7 =	simm.s32 @!p0 $0x108  }
0x21: {  	s3 =	sadd.s32 s3, s9;
	s6 =	sadd.s32 @!p0 $0x88, s6;
	s7 =	simm.s32 @p2 $0x1082  }
0x22: {  	[simem:s7], [sflag:s8] =	dma.local @!p0 [hbm:s6], $0xF7A  }
0x23: {  	s9 =	sor.u32 $0xD0000000, s2;
	s6 =	simm.s32 $0x108;
	_ =	swait.ge @!p0 [sflag:s8], $0x0  }
0x24: {  	s3 =	sadd.s32 $0x88, s3;
	s6 =	simm.s32 @!p1 $0x1082;
	[sflag:s4] =	ssyncset.s32 $0xFFFFF086  }
0x25: {  	[simem:s6], [sflag:s4] =	dma.local [hbm:s3], $0xF7A  }
0x26: {  	[smem:$0x3F99] =	sst s1;
	(tag) =	ssettag s2;
	_ =	strace s9  }
0x27: {  	s1 =	sld [smem:$0x3FA9]  }
0x28: {  	s2 =	sld [smem:$0x3FAA]  }
0x29: {  	s4 =	sld [smem:$0x3FAC]  }
0x2a: {  	p0 =	seq.s32 s5, $0x0;
	s5 =	sld [smem:$0x3FAD]  }
0x2b: {  	s6 =	sld [smem:$0x3FAE]  }
0x2c: {  	s7 =	sld [smem:$0x3FAF]  }
0x2d: {  	s3 =	simm.s32 $0x108;
	s8 =	sld [smem:$0x3FB0]  }
0x2e: {  	s3 =	simm.s32 @!p0 $0x1082;
	s9 =	sld [smem:$0x3FB1]  }
0x2f: {  	lr =	sadd.s32 s0, s3;
	s0 =	sld [smem:$0x3FA8]  }
0x30: {  	s3 =	sld [smem:$0x3FAB]  }
0x31: {  	[smem:$0x3FB4] =	sst s10  }
0x32: {  	s10 =	sld [smem:$0x3FB2];
	_ =	sdelay $0x3  }
0x33: {  	p0 =	seq.s32 s10, $0x1;
	s10 =	sld [smem:$0x3FB4];
	_ =	sdelay $0x3  }
0x34: {  	[smem:$0x3FB4] =	sst s10  }
0x35: {  	s10 =	sld [smem:$0x3FB3];
	_ =	sdelay $0x3  }
0x36: {  	p1 =	seq.s32 s10, $0x1;
	s10 =	sld [smem:$0x3FB4];
	_ =	sdelay $0x3  }
0x37: {  	[smem:$0x3FB4] =	sst s10  }
0x38: {  	s10 =	sld [smem:$0x3FB5]  }
0x39: {  	_ = 	snop;
	(pc) =	sbr.ind lr, $3  }
0x3a: {  	_ = 	snop  }
0x3b: {  	_ = 	snop  }
0x3c: {  	p2 =	seq.s32 s10, $0x1;
	s10 =	sld [smem:$0x3FB4]  }
0x3d: {  	_ =	shalt  }
0x3e: {  	_ =	shalt  }
0x3f: {  	_ =	shalt  }
0x40: {  	_ =	shalt  }
0x41: {  	_ =	shalt  }
0x42: {  	_ =	shalt  }
0x43: {  	_ =	shalt  }
0x44: {  	_ =	shalt  }
0x45: {  	_ =	shalt  }
0x46: {  	_ =	shalt  }
0x47: {  	_ =	shalt  }
0x48: {  	_ =	shalt  }
0x49: {  	_ =	shalt  }
0x4a: {  	_ =	shalt  }
0x4b: {  	_ =	shalt  }
0x4c: {  	_ =	shalt  }
0x4d: {  	_ =	shalt  }
0x4e: {  	_ =	shalt  }
0x4f: {  	_ =	shalt  }
0x50: {  	_ =	shalt  }
0x51: {  	_ =	shalt  }
0x52: {  	_ =	shalt  }
0x53: {  	_ =	shalt  }
0x54: {  	_ =	shalt  }
0x55: {  	_ =	shalt  }
0x56: {  	_ =	shalt  }
0x57: {  	_ =	shalt  }
0x58: {  	_ =	shalt  }
0x59: {  	_ =	shalt  }
0x5a: {  	_ =	shalt  }
0x5b: {  	_ =	shalt  }
0x5c: {  	_ =	shalt  }
0x5d: {  	_ =	shalt  }
0x5e: {  	_ =	shalt  }
0x5f: {  	_ =	shalt  }
0x60: {  	_ =	shalt  }
0x61: {  	_ =	shalt  }
0x62: {  	_ =	shalt  }
0x63: {  	_ =	shalt  }
0x64: {  	_ =	shalt  }
0x65: {  	_ =	shalt  }
0x66: {  	_ =	shalt  }
0x67: {  	_ =	shalt  }
0x68: {  	_ =	shalt  }
0x69: {  	_ =	shalt  }
0x6a: {  	_ =	shalt  }
0x6b: {  	_ =	shalt  }
0x6c: {  	_ =	shalt  }
0x6d: {  	_ =	shalt  }
0x6e: {  	_ =	shalt  }
0x6f: {  	_ =	shalt  }
0x70: {  	_ =	shalt  }
0x71: {  	_ =	shalt  }
0x72: {  	_ =	shalt  }
0x73: {  	_ =	shalt  }
0x74: {  	_ =	shalt  }
0x75: {  	_ =	shalt  }
0x76: {  	_ =	shalt  }
0x77: {  	_ =	shalt  }
0x78: {  	_ =	shalt  }
0x79: {  	_ =	shalt  }
0x7a: {  	_ =	shalt  }
0x7b: {  	_ =	shalt  }
0x7c: {  	_ =	shalt  }
0x7d: {  	_ =	shalt  }
0x7e: {  	_ =	shalt  }
0x7f: {  	_ =	shalt  }
0x80: {  	_ =	shalt  }
0x81: {  	_ =	shalt  }
0x82: {  	_ =	shalt  }
0x83: {  	_ =	shalt  }
0x84: {  	_ =	shalt  }
0x85: {  	_ =	shalt  }
0x86: {  	_ =	shalt  }
0x87: {  	_ =	shalt  }
.Lfunc_end0:
.L_simem_size_0:
called_computation_lowered:
.L_overlay_start_0:
0x88: {  	s2 =	sld [smem:$0x3FD9]  }
0x89: {  	s3 =	sld [smem:$0x3FFE];
	_ =	sdelay $0x1  }
0x8a: {  	s1 =	srdreg.scid  }
0x8b: {  	s0 =	sand.u32 $0x1, s1  }
0x8c: {  	s14 =	sshll.u32 s0, $0xA;
	s2 =	sadd.s32 s3, s2  }
0x8d: {  	s2 =	sadd.s32 s2, s14  }
0x8e: {  	[smem:$0x3FC0] =	sst s2  }
0x8f: {  	_ = 	snop  }
0x90: {  	s2 =	sld [smem:$0x3FD0];
	_ =	sdelay $0x2  }
0x91: {  	s4 =	simm.s32 $0xA;
	s5 =	simm.s32 $0x10;
	s15 =	sld [smem:$0x3FC9]  }
0x92: {  	[smem:s5], [sflag:s4] =	dma.local [hbm:s2], $0x1  }
0x93: {  	_ =	swait.eq [sflag:s4], $0x1  }
0x94: {  	[sflag:s4] =	ssyncset.done $0x0  }
0x95: {  	s16 =	sld [smem:$0x10];
	[sflag:s4] =	ssyncadd.s32 $0xFFFFFFFF  }
0x96: {  	s17 =	sld [smem:$0x11];
	(tm) =	ssettm $0x1  }
0x97: {  	s18 =	sld [smem:$0x3FFB];
	_ =	sdelay $0x3  }
0x98: {  	_ =	strace s18  }
0x99: {  	s5 =	sld [smem:$0x3FFC];
	_ =	sdelay $0x3  }
0x9a: {  	_ =	strace s5  }
0x9b: {  	s5 =	sld [smem:$0x3FFD];
	_ =	sdelay $0x3  }
0x9c: {  	_ =	strace s5  }
0x9d: {  	_ =	strace $0x8FFFFFFF  }
0x9e: {  	s19 =	sld [smem:$0x3FDB];
	_ =	sdelay $0x1  }
0x9f: {  	s6 =	simm.s32 $_scs_section_size  }
0xa0: {  	s7 =	simm.s32 $_size__tile_overlayer_lowered;
	s8 =	simm.s32 $_tile_overlayer_lowered  }
0xa1: {  	s22 =	simm.s32 $0x1BFF;
	s21 =	sshll.u32 s8, $0x1;
	s5 =	sadd.s32 s6, s19  }
0xa2: {  	s9 =	simm.s32 $0x0;
	s20 =	sshll.u32 s7, $0x1;
	s7 =	sadd.s32 s21, s5  }
0xa3: {  	[timem:s9], [sflag:s22] =	dma.local [hbm:s7], s20  }
0xa4: {  	_ =	swait.ge [sflag:s22], s20  }
0xa5: {  	s6 =	ssub.s32 $0x0, s20;
	[sflag:s22] =	ssyncset.done $0x0  }
0xa6: {  	[sflag:s22] =	ssyncadd.s32 s6;
	_ =	sdelay $0x1  }
0xa7: {  	s23 =	simm.s32 $0x1B8B  }
0xa8: {  	_ =	swait.ge [sflag:s23], $0x1  }
0xa9: {  	[sflag:s23] =	ssyncset.done $0x0  }
0xaa: {  	s25 =	simm.s32 $0x1B8E;
	s24 =	sld [smem:$0x3FFE];
	[sflag:s23] =	ssyncadd.s32 $0xFFFFFFFF  }
0xab: {  	s26 =	simm.s32 $execute0_lowered;
	[smem:$0x3FD2] =	sst s25  }
0xac: {  	s7 =	sshll.u32 s26, $0x1;
	_ =	strace $0x80000046;
	[dreg:$0x1] =	wrdreg $0xFFFFFFFF  }
0xad: {  	s28 =	simm.s32 $_size_execute0_lowered;
	s5 =	sadd.s32 s5, s7;
	[dreg:$0x0] =	wrdreg $0x0  }
0xae: {  	s7 =	sshll.u32 s28, $0x1;
	[dreg:$0x2] =	wrdreg s5  }
0xaf: {  	[dreg:$0x3] =	wrdreg s7  }
0xb0: {  	[dreg:$0x4] =	wrdreg $0xC0  }
0xb1: {  	_ =	task [dreg:s9], $0x5FFFF  }
0xb2: {  	[dreg:$0x1] =	wrdreg $0xFFFFFFFF  }
0xb3: {  	[dreg:$0x0] =	wrdreg $0x60  }
0xb4: {  	[dreg:$0x2] =	wrdreg s15  }
0xb5: {  	[dreg:$0x3] =	wrdreg s24  }
0xb6: {  	[dreg:$0x4] =	wrdreg s17  }
0xb7: {  	[dreg:$0x5] =	wrdreg s16  }
0xb8: {  	[dreg:$0x6] =	wrdreg $0x9  }
0xb9: {  	_ =	task.clear_ibuf [dreg:s9], $0x7FFFF;
	_ =	strace $0x90000046  }
0xba: {  	s29 =	simm.s32 $0x9;
	_ =	strace $0x80000048  }
0xbb: {  	_ =	swait.ge [sflag:s29], $0x1  }
0xbc: {  	[sflag:s29] =	ssyncadd.s32 $0xFFFFFFFF  }
0xbd: {  	_ =	strace $0x90000048  }
0xbe: {  	_ =	sfence  }
0xbf: {  	s30 =	sld [smem:$0x0];
	_ =	sdelay $0x2  }
0xc0: {  	s31 =	sshll.u32 s1, $0xD;
	s1 =	sshrl.u32 s1, $0x2  }
0xc1: {  	s3 =	sand.u32 $0x4000, s31;
	s1 =	sadd.s32 s1, s30  }
0xc2: {  	s0 =	sor.u32 s3, s0;
	s1 =	sshll.u32 s1, $0x11  }
0xc3: {  	s0 =	sor.u32 s1, s0  }
0xc4: {  	s0 =	sadd.s32 $0x8F2B, s0  }
0xc5: {  	[sflag:s0] =	ssyncadd.remote.s32 $0x1  }
0xc6: {  	_ =	sfence.sel $0xFFFF  }
0xc7: {  	[dreg:$0x0] =	wrdreg $0xFFFFFFFF;
	(pc) =	sbr.abs _section_cstart, $3  }
0xc8: {  	[dreg:$0x1] =	wrdreg $0xFFFFFFFF  }
0xc9: {  	_ =	task.clear_ibuf [dreg:s9], $0x2FFFF;
	_ =	strace $0x9FFFFFFF  }
0xca: {  	(tm) =	ssettm $0x7FFFFFFF  }
0xcb: {  	_ =	shalt  }
tec
execute0_lowered:
.L_overlay_start_1:
0x0: {  	(tag) =	ssettag $0x1  }
0x1: {  	s0 =	rddreg [dreg:$0x0]  }
0x2: {  	s4 =	rddreg [dreg:$0x1]  }
0x3: {  	s6 =	rddreg [dreg:$0x2]  }
0x4: {  	s2 =	rddreg [dreg:$0x3];
	s3 =	simm.s32 $0x0  }
0x5: {  	s1 =	srdreg.scid;
	s9 =	simm.s32 $0x2C00;
	[smem:$0x7FF] =	sst s3  }
0x6: {  	s22 =	simm.s32 $0x3400;
	_ =	strace $0x80000047;
	[dreg:$0x5] =	wrdreg s9  }
0x7: {  	s21 =	stileid.u32;
	s23 =	simm.s32 $0x3C00;
	[dreg:$0x6] =	wrdreg s22  }
0x8: {  	s25 =	simm.s32 $0x4400;
	s26 =	simm.s32 $0x4C00;
	[dreg:$0x7] =	wrdreg s23  }
0x9: {  	s28 =	simm.s32 $0x5400;
	s13 =	simm.s32 $0x5C00;
	[dreg:$0x8] =	wrdreg s25  }
0xa: {  	s29 =	simm.s32 $0x6400;
	s15 =	simm.s32 $0x7C00;
	[dreg:$0x9] =	wrdreg s26  }
0xb: {  	s16 =	simm.s32 $0x8400;
	s17 =	simm.s32 $0x8C00;
	[dreg:$0xa] =	wrdreg s28  }
0xc: {  	s18 =	simm.s32 $0x9400;
	s19 =	simm.s32 $0x9C00;
	[dreg:$0xb] =	wrdreg s13  }
0xd: {  	s30 =	simm.s32 $0x1;
	s31 =	simm.s32 $0x2;
	[dreg:$0xc] =	wrdreg s29  }
0xe: {  	s1 =	sand.u32 $0x1, s1;
	s5 =	sshll.u32 s21, $0x1;
	[dreg:$0xf] =	wrdreg s15  }
0xf: {  	s20 =	sshll.u32 s21, $0x7;
	s7 =	sor.u32 s1, s5;
	[dreg:$0x10] =	wrdreg s16  }
0x10: {  	s10 =	sshll.u32 s1, $0x6;
	s11 =	ssub.s32 $0x2, s1;
	[dreg:$0x11] =	wrdreg s17  }
0x11: {  	s13 =	simm.s32 $0x7400;
	s9 =	sadd.s32 $0x100, s2;
	[dreg:$0x12] =	wrdreg s18  }
0x12: {  	[dreg:$0x13] =	wrdreg s19;
	s22 =	simm.s32 $0xB400;
	s23 =	simm.s32 $0xBC00  }
0x13: {  	s15 =	sadd.s32 $0x700, s2;
	s25 =	simm.s32 $0xCC00;
	s16 =	sadd.s32 $0x800, s2  }
0x14: {  	s26 =	simm.s32 $0xD400;
	s17 =	sadd.s32 $0x900, s2;
	[dreg:$0xe] =	wrdreg s13  }
0x15: {  	s28 =	simm.s32 $0xDC00;
	s18 =	sadd.s32 $0xA00, s2;
	[dreg:$0x15] =	wrdreg s22  }
0x16: {  	s29 =	simm.s32 $0xE400;
	s19 =	sadd.s32 $0xB00, s2;
	[dreg:$0x16] =	wrdreg s23  }
0x17: {  	s1 =	sshll.u32 s1, $0x12;
	s5 =	sshll.u32 s7, $0xA;
	[dreg:$0x18] =	wrdreg s25  }
0x18: {  	s10 =	sor.u32 s10, s20;
	s12 =	sshrl.u32 s11, $0x1;
	[dreg:$0x19] =	wrdreg s26  }
0x19: {  	s7 =	sshll.u32 s7, $0x12;
	s20 =	simm.s32 $0xAC00;
	[dreg:$0x1a] =	wrdreg s28  }
0x1a: {  	s13 =	sadd.s32 $0x500, s2;
	[dreg:$0x1b] =	wrdreg s29;
	s22 =	sshll.u32 s21, $0x13  }
0x1b: {  	s23 =	simm.s32 $0xFC00;
	s21 =	sadd.s32 $0xD00, s2;
	s25 =	simm.s32 $0x10C00  }
0x1c: {  	s26 =	simm.s32 $0x11400;
	s28 =	simm.s32 $0x11C00;
	[dreg:$0x14] =	wrdreg s20  }
0x1d: {  	s8 =	sadd.s32 s5, s4;
	s24 =	sadd.s32 s10, s4;
	[dreg:$0x1e] =	wrdreg s23  }
0x1e: {  	s4 =	sadd.s32 $0x9200, s4;
	s5 =	ssub.s32 s11, s12;
	[smem:$0x7FA] =	sst s25  }
0x1f: {  	s12 =	simm.s32 $0x6C00;
	s6 =	sadd.s32 s6, s10;
	[smem:$0x7FB] =	sst s26  }
0x20: {  	s7 =	sadd.s32 s0, s7;
	s10 =	sadd.s32 $0x200, s2;
	[smem:$0x7FC] =	sst s28  }
0x21: {  	s11 =	sadd.s32 $0x300, s2;
	s20 =	sadd.s32 $0xC00, s2;
	[smem:$0x7F7] =	sst s6  }
0x22: {  	s0 =	sadd.s32 s22, s0;
	s23 =	sadd.s32 $0xE00, s2;
	[dreg:$0xd] =	wrdreg s12  }
0x23: {  	s26 =	simm.s32 $0x6;
	s8 =	sadd.s32 $0xA00, s8;
	[smem:$0x7F9] =	sst s7  }
0x24: {  	s14 =	sadd.s32 $0x8A00, s24;
	s12 =	sadd.s32 $0x400, s2;
	[smem:$0x7F6] =	sst s8  }
0x25: {  	s24 =	simm.s32 $0xC400;
	s7 =	simm.s32 $0xEC00;
	[smem:$0x7F8] =	sst s14  }
0x26: {  	s22 =	sadd.s32 s1, s0;
	s29 =	smax.u32 s5, $0x1;
	[dreg:$0x17] =	wrdreg s24  }
0x27: {  	s0 =	simm.s32 $0x2400;
	s1 =	simm.s32 $0xA400;
	[dreg:$0x1c] =	wrdreg s7  }
0x28: {  	v0 =	vlaneseq.u32;
	s14 =	sadd.s32 $0x600, s2;
	s8 =	simm.s32 $0xF400;
	[smem:$0x7FD] =	sst s29  }
0x29: {  	v1 =	vshrl.u32 v0, $0x3;
	s24 =	simm.s32 $0x10400;
	s7 =	simm.s32 $0x5;
	[dreg:$0x1d] =	wrdreg s8  }
0x2a: {  	vm0 =	vmmov $0xffff;
	v0 =	vand.u32 $0x7, v0;
	v1 =	vmul.u32 $0x8, v1;
	[dreg:$0x1f] =	wrdreg s24;
	s24 =	sadd.s32 $0xF00, s2;
	s8 =	simm.s32 $0x0  }
.LBB2_1:
0x2b: {  	s5 =	sld [smem:$0x7F6];
	_ =	sdelay $0x2  }
0x2c: {  	[tilespmem:s3], [sflag:$0x6] =	stream.linear.gather [hbm4b:s5+s3], $0x2000, $0x38;
	[tilespmem:$0x12400] =	vst v63  }
0x2d: {  	_ =	swait.ge [sflag:s26], $0x2000  }
0x2e: {  	s25 =	sld [smem:$0x7F7]  }
0x2f: {  	[sflag:s26] =	ssyncset.done $0x0  }
0x30: {  	s6 =	simm.s32 $0x2000;
	[sflag:s26] =	ssyncadd.s32 $0xFFFFE000  }
0x31: {  	[tilespmem:s6], [sflag:$0x6] =	stream.linear.gather [hbm4b:s25+s3], $0x200, $0x38;
	[tilespmem:$0x12400] =	vst v63  }
0x32: {  	_ =	swait.ge [sflag:s26], $0x200  }
0x33: {  	s29 =	sld [smem:$0x7F8]  }
0x34: {  	[sflag:s26] =	ssyncset.done $0x0  }
0x35: {  	s25 =	simm.s32 $0x2200;
	[sflag:s26] =	ssyncadd.s32 $0xFFFFFE00  }
0x36: {  	[tilespmem:s25], [sflag:$0x6] =	stream.linear.gather [hbm4b:s29+s3], $0x200, $0x38;
	[tilespmem:$0x12400] =	vst v63  }
0x37: {  	_ =	swait.ge [sflag:s26], $0x200  }
0x38: {  	[sflag:s26] =	ssyncset.done $0x0  }
0x39: {  	s28 =	simm.s32 $0x80;
	[sflag:s26] =	ssyncadd.s32 $0xFFFFFE00  }
0x3a: {  	[hbm4b:s4+s28] =	stream.indirect.scatter [tilespmem:s25], [sflag:$0x5], $0x1, s6, s28, $0xb8;
	[tilespmem:$0x12400] =	vst v63  }
0x3b: {  	s29 =	simm.s32 $0x2280;
	s25 =	simm.s32 $0x2080  }
0x3c: {  	[hbm4b:s4+s28] =	stream.indirect.scatter [tilespmem:s29], [sflag:$0x5], $0x1, s25, s28, $0xb8;
	[tilespmem:$0x12400] =	vst v63  }
0x3d: {  	s25 =	simm.s32 $0x2100;
	s29 =	simm.s32 $0x2300  }
0x3e: {  	[hbm4b:s4+s28] =	stream.indirect.scatter [tilespmem:s29], [sflag:$0x5], $0x1, s25, s28, $0xb8;
	[tilespmem:$0x12400] =	vst v63  }
0x3f: {  	s6 =	simm.s32 $0x2180;
	s25 =	simm.s32 $0x2380;
	s29 =	sld [smem:$0x7F9]  }
0x40: {  	[hbm4b:s4+s28] =	stream.indirect.scatter [tilespmem:s25], [sflag:$0x5], $0x1, s6, s28, $0xb8;
	[tilespmem:$0x12400] =	vst v63  }
0x41: {  	s25 =	simm.s32 $0x0  }
0x42: {  	[tilespmem:s0], [sflag:$0x1] =	stream.linear.gather [hbm4b:s29+s3], $0x8000, $0x38;
	[tilespmem:$0x12400] =	vst v63  }
.LBB2_2:
0x43: {  	p0 =	seq.s32 s25, $0x0  }
0x44: {  	s29 =	simm.s32 @!p0 $0x4  }
0x45: {  	_ =	swait.ge @!p0 [sflag:s29], $0x8000  }
0x46: {  	s5 =	sadd.s32 s25, s22;
	[sflag:s29] =	ssyncset.done @!p0 $0x0  }
0x47: {  	s5 =	sadd.s32 $0x1000, s5;
	[sflag:s29] =	ssyncadd.s32 @!p0 $0xFFFF8000  }
0x48: {  	[tilespmem:s1], [sflag:$0x2] =	stream.linear.gather [hbm4b:s5+s3], $0x8000, $0x38;
	[tilespmem:$0x12400] =	vst v63  }
0x49: {  	_ =	swait.ge [sflag:s30], $0x8000  }
0x4a: {  	[sflag:s30] =	ssyncset.done $0x0  }
0x4b: {  	[sflag:s30] =	ssyncadd.s32 $0xFFFF8000  }
0x4c: {  	v2 =	vld.msk [tilespmem:s28+$0xFFFFFF80], $0xff;
	_ =	sdelay $0x4  }
0x4d: {  	v3 =	vshll.u32 v2, $0x5  }
0x4e: {  	v2 =	vand.u32 $0x7, v2;
	v3 =	vand.u32 $0xFFFFFF00, v3  }
0x4f: {  	v2 =	vor.u32 v2, v3  }
0x50: {  	v2 =	vperm.xlane v2, v0;
	_ =	sdelay $0x1  }
0x51: {  	v2 =	vadd.s32 v1, v2;
	_ =	sdelay $0x4  }
0x52: {  	[hbm4b:s2+s3] =	stream.indirect_vreg.scatter [tilespmem:s0], [sflag:$0x3], $0x80, v2, vm0, $0xb8;
	[tilespmem:$0x12400] =	vst v63  }
0x53: {  	s6 =	rddreg [dreg:$0x5]  }
0x54: {  	[hbm4b:s9+s3] =	stream.indirect_vreg.scatter [tilespmem:s6], [sflag:$0x3], $0x80, v2, vm0, $0xb8;
	[tilespmem:$0x12400] =	vst v63  }
0x55: {  	s29 =	rddreg [dreg:$0x6]  }
0x56: {  	[hbm4b:s10+s3] =	stream.indirect_vreg.scatter [tilespmem:s29], [sflag:$0x3], $0x80, v2, vm0, $0xb8;
	[tilespmem:$0x12400] =	vst v63  }
0x57: {  	s6 =	rddreg [dreg:$0x7]  }
0x58: {  	[hbm4b:s11+s3] =	stream.indirect_vreg.scatter [tilespmem:s6], [sflag:$0x3], $0x80, v2, vm0, $0xb8;
	[tilespmem:$0x12400] =	vst v63  }
0x59: {  	s29 =	rddreg [dreg:$0x8]  }
0x5a: {  	[hbm4b:s12+s3] =	stream.indirect_vreg.scatter [tilespmem:s29], [sflag:$0x3], $0x80, v2, vm0, $0xb8;
	[tilespmem:$0x12400] =	vst v63  }
0x5b: {  	s6 =	rddreg [dreg:$0x9]  }
0x5c: {  	[hbm4b:s13+s3] =	stream.indirect_vreg.scatter [tilespmem:s6], [sflag:$0x3], $0x80, v2, vm0, $0xb8;
	[tilespmem:$0x12400] =	vst v63  }
0x5d: {  	s29 =	rddreg [dreg:$0xa]  }
0x5e: {  	[hbm4b:s14+s3] =	stream.indirect_vreg.scatter [tilespmem:s29], [sflag:$0x3], $0x80, v2, vm0, $0xb8;
	[tilespmem:$0x12400] =	vst v63  }
0x5f: {  	s6 =	rddreg [dreg:$0xb]  }
0x60: {  	[hbm4b:s15+s3] =	stream.indirect_vreg.scatter [tilespmem:s6], [sflag:$0x3], $0x80, v2, vm0, $0xb8;
	[tilespmem:$0x12400] =	vst v63  }
0x61: {  	s29 =	rddreg [dreg:$0xc]  }
0x62: {  	[hbm4b:s16+s3] =	stream.indirect_vreg.scatter [tilespmem:s29], [sflag:$0x3], $0x80, v2, vm0, $0xb8;
	[tilespmem:$0x12400] =	vst v63  }
0x63: {  	s6 =	rddreg [dreg:$0xd]  }
0x64: {  	[hbm4b:s17+s3] =	stream.indirect_vreg.scatter [tilespmem:s6], [sflag:$0x3], $0x80, v2, vm0, $0xb8;
	[tilespmem:$0x12400] =	vst v63  }
0x65: {  	s29 =	rddreg [dreg:$0xe]  }
0x66: {  	[hbm4b:s18+s3] =	stream.indirect_vreg.scatter [tilespmem:s29], [sflag:$0x3], $0x80, v2, vm0, $0xb8;
	[tilespmem:$0x12400] =	vst v63  }
0x67: {  	s6 =	rddreg [dreg:$0xf]  }
0x68: {  	[hbm4b:s19+s3] =	stream.indirect_vreg.scatter [tilespmem:s6], [sflag:$0x3], $0x80, v2, vm0, $0xb8;
	[tilespmem:$0x12400] =	vst v63  }
0x69: {  	s29 =	rddreg [dreg:$0x10]  }
0x6a: {  	[hbm4b:s20+s3] =	stream.indirect_vreg.scatter [tilespmem:s29], [sflag:$0x3], $0x80, v2, vm0, $0xb8;
	[tilespmem:$0x12400] =	vst v63  }
0x6b: {  	s6 =	rddreg [dreg:$0x11]  }
0x6c: {  	[hbm4b:s21+s3] =	stream.indirect_vreg.scatter [tilespmem:s6], [sflag:$0x3], $0x80, v2, vm0, $0xb8;
	[tilespmem:$0x12400] =	vst v63  }
0x6d: {  	p0 =	seq.s32 s25, $0x3E000;
	s29 =	rddreg [dreg:$0x12]  }
0x6e: {  	[hbm4b:s23+s3] =	stream.indirect_vreg.scatter [tilespmem:s29], [sflag:$0x3], $0x80, v2, vm0, $0xb8;
	[tilespmem:$0x12400] =	vst v63  }
0x6f: {  	s5 =	simm.s32 @!p0 $0x3;
	s6 =	rddreg [dreg:$0x13]  }
0x70: {  	[hbm4b:s24+s3] =	stream.indirect_vreg.scatter [tilespmem:s6], [sflag:$0x3], $0x80, v2, vm0, $0xb8;
	[tilespmem:$0x12400] =	vst v63  }
0x71: {  	_ =	swait.ge @!p0 [sflag:s5], $0x8000  }
0x72: {  	[sflag:s5] =	ssyncset.done @!p0 $0x0  }
0x73: {  	[sflag:s5] =	ssyncadd.s32 @!p0 $0xFFFF8000;
	s5 =	sadd.s32 @!p0 s25, s22  }
0x74: {  	s29 =	simm.s32 @!p0 $0x0;
	s6 =	simm.s32 @!p0 $0x2400;
	s5 =	sadd.s32 @!p0 $0x2000, s5  }
0x75: {  	[tilespmem:s6], [sflag:$0x1] =	stream.linear.gather @!p0 [hbm4b:s5+s29], $0x8000, $0x38;
	[tilespmem:$0x12400] =	vst v63  }
0x76: {  	_ =	swait.ge [sflag:s31], $0x8000  }
0x77: {  	[sflag:s31] =	ssyncset.done $0x0  }
0x78: {  	[sflag:s31] =	ssyncadd.s32 $0xFFFF8000  }
0x79: {  	v2 =	vld.msk [tilespmem:s28+$0x0], $0xff;
	_ =	sdelay $0x4  }
0x7a: {  	v3 =	vshll.u32 v2, $0x5  }
0x7b: {  	v2 =	vand.u32 $0x7, v2;
	v3 =	vand.u32 $0xFFFFFF00, v3  }
0x7c: {  	v2 =	vor.u32 v2, v3  }
0x7d: {  	v2 =	vperm.xlane v2, v0;
	_ =	sdelay $0x1  }
0x7e: {  	v2 =	vadd.s32 v1, v2;
	_ =	sdelay $0x3  }
0x7f: {  	s29 =	rddreg [dreg:$0x14]  }
0x80: {  	[hbm4b:s2+s3] =	stream.indirect_vreg.scatter [tilespmem:s1], [sflag:$0x4], $0x80, v2, vm0, $0xb8;
	[tilespmem:$0x12400] =	vst v63  }
0x81: {  	s6 =	rddreg [dreg:$0x15]  }
0x82: {  	[hbm4b:s9+s3] =	stream.indirect_vreg.scatter [tilespmem:s29], [sflag:$0x4], $0x80, v2, vm0, $0xb8;
	[tilespmem:$0x12400] =	vst v63  }
0x83: {  	s29 =	rddreg [dreg:$0x16]  }
0x84: {  	[hbm4b:s10+s3] =	stream.indirect_vreg.scatter [tilespmem:s6], [sflag:$0x4], $0x80, v2, vm0, $0xb8;
	[tilespmem:$0x12400] =	vst v63  }
0x85: {  	s6 =	rddreg [dreg:$0x17]  }
0x86: {  	[hbm4b:s11+s3] =	stream.indirect_vreg.scatter [tilespmem:s29], [sflag:$0x4], $0x80, v2, vm0, $0xb8;
	[tilespmem:$0x12400] =	vst v63  }
0x87: {  	s29 =	rddreg [dreg:$0x18]  }
0x88: {  	[hbm4b:s12+s3] =	stream.indirect_vreg.scatter [tilespmem:s6], [sflag:$0x4], $0x80, v2, vm0, $0xb8;
	[tilespmem:$0x12400] =	vst v63  }
0x89: {  	s6 =	rddreg [dreg:$0x19]  }
0x8a: {  	[hbm4b:s13+s3] =	stream.indirect_vreg.scatter [tilespmem:s29], [sflag:$0x4], $0x80, v2, vm0, $0xb8;
	[tilespmem:$0x12400] =	vst v63  }
0x8b: {  	s29 =	rddreg [dreg:$0x1a]  }
0x8c: {  	[hbm4b:s14+s3] =	stream.indirect_vreg.scatter [tilespmem:s6], [sflag:$0x4], $0x80, v2, vm0, $0xb8;
	[tilespmem:$0x12400] =	vst v63  }
0x8d: {  	s6 =	rddreg [dreg:$0x1b]  }
0x8e: {  	[hbm4b:s15+s3] =	stream.indirect_vreg.scatter [tilespmem:s29], [sflag:$0x4], $0x80, v2, vm0, $0xb8;
	[tilespmem:$0x12400] =	vst v63  }
0x8f: {  	s29 =	rddreg [dreg:$0x1c]  }
0x90: {  	[hbm4b:s16+s3] =	stream.indirect_vreg.scatter [tilespmem:s6], [sflag:$0x4], $0x80, v2, vm0, $0xb8;
	[tilespmem:$0x12400] =	vst v63  }
0x91: {  	s6 =	rddreg [dreg:$0x1d]  }
0x92: {  	[hbm4b:s17+s3] =	stream.indirect_vreg.scatter [tilespmem:s29], [sflag:$0x4], $0x80, v2, vm0, $0xb8;
	[tilespmem:$0x12400] =	vst v63  }
0x93: {  	s29 =	rddreg [dreg:$0x1e]  }
0x94: {  	[hbm4b:s18+s3] =	stream.indirect_vreg.scatter [tilespmem:s6], [sflag:$0x4], $0x80, v2, vm0, $0xb8;
	[tilespmem:$0x12400] =	vst v63  }
0x95: {  	s6 =	rddreg [dreg:$0x1f]  }
0x96: {  	[hbm4b:s19+s3] =	stream.indirect_vreg.scatter [tilespmem:s29], [sflag:$0x4], $0x80, v2, vm0, $0xb8;
	[tilespmem:$0x12400] =	vst v63  }
0x97: {  	s25 =	sadd.s32 $0x2000, s25;
	s29 =	sld [smem:$0x7FA]  }
0x98: {  	[hbm4b:s20+s3] =	stream.indirect_vreg.scatter [tilespmem:s6], [sflag:$0x4], $0x80, v2, vm0, $0xb8;
	[tilespmem:$0x12400] =	vst v63  }
0x99: {  	p0 =	sne.s32 s25, $0x40000;
	s6 =	sld [smem:$0x7FB]  }
0x9a: {  	[hbm4b:s21+s3] =	stream.indirect_vreg.scatter [tilespmem:s29], [sflag:$0x4], $0x80, v2, vm0, $0xb8;
	[tilespmem:$0x12400] =	vst v63  }
.Ltmp0:
0x9b: {  	_ = 	snop;
	(pc) =	sbr.rel @p0 .LBB2_2-.Ltmp0, $4  }
0x9c: {  	s29 =	sld [smem:$0x7FC]  }
0x9d: {  	[hbm4b:s23+s3] =	stream.indirect_vreg.scatter [tilespmem:s6], [sflag:$0x4], $0x80, v2, vm0, $0xb8;
	[tilespmem:$0x12400] =	vst v63  }
0x9e: {  	s28 =	sadd.s32 $0x100, s28  }
0x9f: {  	[hbm4b:s24+s3] =	stream.indirect_vreg.scatter [tilespmem:s29], [sflag:$0x4], $0x80, v2, vm0, $0xb8;
	[tilespmem:$0x12400] =	vst v63  }
0xa0: {  	s5 =	simm.s32 $0x3  }
0xa1: {  	_ =	swait.ge [sflag:s5], $0x8000  }
0xa2: {  	[sflag:s5] =	ssyncset.done $0x0  }
0xa3: {  	s28 =	simm.s32 $0x4;
	[sflag:s5] =	ssyncadd.s32 $0xFFFF8000  }
0xa4: {  	_ =	swait.ge [sflag:s28], $0x8000  }
0xa5: {  	[sflag:s28] =	ssyncset.done $0x0  }
0xa6: {  	[sflag:s28] =	ssyncadd.s32 $0xFFFF8000  }
0xa7: {  	_ =	swait.ge [sflag:s7], $0x80  }
0xa8: {  	[sflag:s7] =	ssyncset.done $0x0  }
0xa9: {  	[sflag:s7] =	ssyncadd.s32 $0xFFFFFF80  }
0xaa: {  	_ =	swait.ge [sflag:s7], $0x80  }
0xab: {  	[sflag:s7] =	ssyncset.done $0x0  }
0xac: {  	[sflag:s7] =	ssyncadd.s32 $0xFFFFFF80  }
0xad: {  	_ =	swait.ge [sflag:s7], $0x80  }
0xae: {  	[sflag:s7] =	ssyncset.done $0x0  }
0xaf: {  	[sflag:s7] =	ssyncadd.s32 $0xFFFFFF80  }
0xb0: {  	_ =	swait.ge [sflag:s7], $0x80  }
0xb1: {  	s29 =	sld [smem:$0x7FD];
	_ =	sdelay $0x1  }
0xb2: {  	s8 =	sadd.s32 $0x1, s8  }
0xb3: {  	p0 =	sne.s32 s8, s29  }
.Ltmp1:
0xb4: {  	_ = 	snop;
	(pc) =	sbr.rel @p0 .LBB2_1-.Ltmp1, $3  }
0xb5: {  	_ =	sdelay $0x1  }
0xb6: {  	[sflag:s7] =	ssyncset.done $0x0  }
0xb7: {  	[sflag:s7] =	ssyncadd.s32 $0xFFFFFF80  }
0xb8: {  	_ =	sfence.sel $0x180000  }
0xb9: {  	[bflag:$0x0] =	sbarrier.arrive $0xFFFF  }
0xba: {  	_ =	strace $0x90000047  }
0xbb: {  	s0 =	stileid.u32;
	[bflag:$0x2] =	sbarrier.arrive $0xFFFF  }
0xbc: {  	p0 =	sne.s32 s0, $0x0;
	s0 =	rddreg [dreg:$0x4]  }
0xbd: {  	s0 =	sadd.s32 @!p0 $0x100000, s0  }
0xbe: {  	[sflag:s0] =	ssyncadd.tile.s32 @!p0 $0x1;
	_ =	shalt  }
.Lfunc_end2:
_tile_overlayer_lowered:
.L_overlay_start_2:
0xbf: {  	(tag) =	ssettag $0x2  }
0xc0: {  	s0 =	rddreg [dreg:$0x0];
	s2 =	stileid.u32  }
0xc1: {  	s1 =	rddreg [dreg:$0x1];
	p0 =	sne.s32 s2, $0x0  }
0xc2: {  	s3 =	rddreg [dreg:$0x2];
	[bflag:$0x3] =	sbarrier.arrive $0xFFFF;
	s2 =	simm.s32 @!p0 $0x1C06  }
0xc3: {  	[timem:s3], [sflag:s2] =	dma.local @!p0 [hbm:s0], s1  }
0xc4: {  	s0 =	simm.s32 @!p0 $0x6  }
0xc5: {  	_ =	swait.ge @!p0 [sflag:s0], s1  }
0xc6: {  	s1 =	ssub.s32 @!p0 $0x0, s1;
	[sflag:s0] =	ssyncset.done @!p0 $0x0  }
0xc7: {  	[sflag:s0] =	ssyncadd.s32 @!p0 s1  }
0xc8: {  	[bflag:$0x3] =	sbarrier.arrive $0xFFFF  }
0xc9: {  	_ =	shalt  }

</sc_bundles>
